<compile_context>
chip_gen: v7x
topology: tpu7x:2x2x1
jax: 0.10.2.dev20260603
libtpu: 0.0.44.dev20260713+nightly
codegen_flags: <defaults>
</compile_context>

<pallas_src>
import functools

import jax
import jax.numpy as jnp
from jax import lax
from jax.experimental import pallas as pl
from jax.experimental.pallas import tpu as pltpu
from jax.experimental.pallas import tpu_sc as plsc

N = 10000
E = 160000
D = 256
H = 512
T = 5

NC = 2
NS = 16
NW = NC * NS

CHUNK = 125
K = E // (NW * CHUNK)

NP = N
RPT = NP // NS
ZB = 125
BM = 2000
F32 = jnp.float32


def _sc_body(t_hbm, edges_hbm, out_hbm, src_v, dst_v,
             r0, r1, r2, r3, zbuf, g_sh, s0, s1, s2, s3):
    cid = lax.axis_index("c")
    sid = lax.axis_index("s")
    wid = sid * NC + cid

    cp_src = pltpu.async_copy(edges_hbm.at[0, wid], src_v, s0)
    cp_dst = pltpu.async_copy(edges_hbm.at[1, wid], dst_v, s1)

    @pl.loop(0, ZB)
    def _zero(i):
        zbuf[i, :] = jnp.zeros((16,), F32)

    @pl.loop(0, RPT // ZB)
    def _init(k):
        pltpu.sync_copy(zbuf, g_sh.at[pl.ds(sid * RPT + k * ZB, ZB)])

    cp_src.wait()
    cp_dst.wait()

    rows = [r0, r1, r2, r3]
    sems = [s0, s1, s2, s3]
    for b in range(3):
        pltpu.async_copy(t_hbm.at[src_v.at[b]], rows[b], sems[b])

    plsc.subcore_barrier()

    @pl.loop(0, K, step=4)
    def _edges(jj):
        for b in range(4):
            j = jj + b
            pltpu.make_async_copy(t_hbm.at[src_v.at[j]], rows[b],
                                  sems[b]).wait()
            pltpu.sync_copy(rows[b], g_sh.at[dst_v.at[j]], add=True)

            @pl.when(j + 3 < K)
            def _ahead(b=b, j=j):
                pltpu.async_copy(t_hbm.at[src_v.at[j + 3]],
                                 rows[(b + 3) % 4], sems[(b + 3) % 4])

    plsc.subcore_barrier()
    pltpu.sync_copy(g_sh.at[pl.ds(sid * RPT, RPT)],
                    out_hbm.at[cid, pl.ds(sid * RPT, RPT)])


@functools.lru_cache(maxsize=1)
def _sc_scatter_fn():
    return pl.kernel(
        _sc_body,
        out_type=jax.ShapeDtypeStruct((NC, NP, 16), F32),
        mesh=plsc.VectorSubcoreMesh(
            core_axis_name="c", subcore_axis_name="s",
            num_cores=NC, num_subcores=NS),
        scratch_types=[
            pltpu.VMEM((K, CHUNK), jnp.int32),
            pltpu.VMEM((K, CHUNK), jnp.int32),
            pltpu.VMEM((CHUNK, 16), F32),
            pltpu.VMEM((CHUNK, 16), F32),
            pltpu.VMEM((CHUNK, 16), F32),
            pltpu.VMEM((CHUNK, 16), F32),
            pltpu.VMEM((ZB, 16), F32),
            pltpu.VMEM_SHARED((NP, 16), F32),
            pltpu.SemaphoreType.DMA,
            pltpu.SemaphoreType.DMA,
            pltpu.SemaphoreType.DMA,
            pltpu.SemaphoreType.DMA,
        ],
        compiler_params=pltpu.CompilerParams(use_tc_tiling_on_sc=False),
    )


def _sc_scatter(table, edges_r):
    return _sc_scatter_fn()(table, edges_r)


def _main_body(p_ref, pos_ref, z_ref, emb_ref, wsh_ref, bsh_ref,
               wdip_ref, bdip_ref, wquad_ref, bquad_ref, dip_ref, quad_ref):
    wsh = wsh_ref[...]
    we = jnp.dot(emb_ref[...], wsh[3:, :])
    wcomb = jnp.concatenate([wsh[:3, :], we], axis=0)
    wout = jnp.concatenate([wdip_ref[...], wquad_ref[...]], axis=1)
    bout = jnp.concatenate([bdip_ref[...], bquad_ref[...]], axis=1)
    g = p_ref[0] + p_ref[1]
    deg = g[:, 8:9]
    z = z_ref[...]
    oh = (z == lax.broadcasted_iota(jnp.int32, (BM, T), 1)).astype(F32)
    a = jnp.concatenate([pos_ref[...], oh], axis=1)
    m = g[:, 0:8] - deg * a
    aggr = jnp.dot(m, wcomb) + deg * bsh_ref[...]
    h = jnp.maximum(aggr, 0.0)
    o = jnp.dot(h, wout) + bout
    dip_ref[...] = o[:, 0:3]
    quad_ref[...] = o[:, 3:9]


def _main(partials, pos, z2, emb, wsh, bsh2, wdip, bdip2, wquad, bquad2):
    return pl.pallas_call(
        _main_body,
        grid=(N // BM,),
        in_specs=[
            pl.BlockSpec((NC, BM, 16), lambda i: (0, i, 0)),
            pl.BlockSpec((BM, 3), lambda i: (i, 0)),
            pl.BlockSpec((BM, 1), lambda i: (i, 0)),
            pl.BlockSpec((T, D), lambda i: (0, 0)),
            pl.BlockSpec((D + 3, H), lambda i: (0, 0)),
            pl.BlockSpec((1, H), lambda i: (0, 0)),
            pl.BlockSpec((H, 3), lambda i: (0, 0)),
            pl.BlockSpec((1, 3), lambda i: (0, 0)),
            pl.BlockSpec((H, 6), lambda i: (0, 0)),
            pl.BlockSpec((1, 6), lambda i: (0, 0)),
        ],
        out_specs=[
            pl.BlockSpec((BM, 3), lambda i: (i, 0)),
            pl.BlockSpec((BM, 6), lambda i: (i, 0)),
        ],
        out_shape=[
            jax.ShapeDtypeStruct((N, 3), F32),
            jax.ShapeDtypeStruct((N, 6), F32),
        ],
    )(partials, pos, z2, emb, wsh, bsh2, wdip, bdip2, wquad, bquad2)


@jax.jit
def kernel(pos, emb, W_sh, b_sh, W_dip, b_dip, W_quad, b_quad,
           z_indices, edge_index):
    z2 = z_indices.astype(jnp.int32).reshape(N, 1)
    edges_r = edge_index.astype(jnp.int32).reshape(2, NW, K, CHUNK)
    oh = (z2 == jnp.arange(T, dtype=jnp.int32)[None, :]).astype(F32)
    table = jnp.concatenate(
        [pos, oh, jnp.ones((N, 1), F32), jnp.zeros((N, 7), F32)], axis=1)

    partials = _sc_scatter(table, edges_r)
    return _main(partials, pos, z2, emb, W_sh, b_sh.reshape(1, H),
                 W_dip, b_dip.reshape(1, 3), W_quad, b_quad.reshape(1, 6))

# --- scband reference (transcript-rebuilt; emitter-appended) ---
"""Pipeline reference for scband-egnn-5085241278842 (READ-ONLY COPY).

The authoritative reference and input builder live on the scoring server;
editing this copy changes nothing except your own understanding.
"""

import jax, jax.numpy as jnp
import numpy as np

N = 10000
E = 160000
D = 256
H = 512
NUM_NODE_TYPES = 5

def setup_inputs(seed: int = 0) -> dict:
    key = jax.random.key(seed)
    ks = jax.random.split(key, 8)
    pos = jax.random.normal(ks[0], (N, 3), dtype=jnp.float32)
    z_indices = jax.random.randint(ks[1], (N,), 0, NUM_NODE_TYPES)
    edge_index = jax.random.randint(ks[2], (2, E), 0, N)
    emb = jax.random.normal(ks[3], (NUM_NODE_TYPES, D), dtype=jnp.float32) * 0.02
    W_sh = jax.random.normal(ks[4], (D + 3, H), dtype=jnp.float32) * 0.02
    b_sh = jnp.zeros((H,), dtype=jnp.float32)
    W_dip = jax.random.normal(ks[5], (H, 3), dtype=jnp.float32) * 0.02
    b_dip = jnp.zeros((3,), dtype=jnp.float32)
    W_quad = jax.random.normal(ks[6], (H, 6), dtype=jnp.float32) * 0.02
    b_quad = jnp.zeros((6,), dtype=jnp.float32)
    return {"pos": pos, "emb": emb, "W_sh": W_sh, "b_sh": b_sh,
            "W_dip": W_dip, "b_dip": b_dip, "W_quad": W_quad, "b_quad": b_quad,
            "z_indices": z_indices, "edge_index": edge_index}

def reference(pos, emb, W_sh, b_sh, W_dip, b_dip, W_quad, b_quad, z_indices, edge_index):
    # x = cat([pos, embedding(z)], -1)
    x = jnp.concatenate([pos, jnp.take(emb, z_indices, axis=0)], axis=-1)  # [N, D+3]
    src = edge_index[0]
    dst = edge_index[1]
    # message: lin(x_j - x_i); x_j = source node feats, x_i = dest node feats
    msg = (x[src] - x[dst]) @ W_sh + b_sh  # [E, H]
    # aggr='add' scatter to destination nodes
    aggr = jax.ops.segment_sum(msg, dst, num_segments=x.shape[0])  # [N, H]
    # update: relu, then the outer relu in EGNN.forward
    h = jax.nn.relu(aggr)
    h = jax.nn.relu(h)
    dipole_pred = h @ W_dip + b_dip      # [N, 3]
    quadrupole_pred = h @ W_quad + b_quad  # [N, 6]
    return (dipole_pred, quadrupole_pred)

if __name__ == "__main__":
    import jax
    _d = setup_inputs()
    print(jax.jit(kernel)(*tuple(_d.values())))

</pallas_src>

<mosaic_0001>
#map = affine_map<(d0, d1) -> (0, 0)>
#map1 = affine_map<(d0, d1) -> (0, 0, 0, 0)>
#map2 = affine_map<(d0, d1) -> (0, 0, 0)>
module attributes {stable_mosaic.version = 14 : i64} {
  func.func @_sc_body(%arg0: i32, %arg1: i32, %arg2: memref<10000x16xf32, #tpu.memory_space<hbm>>, %arg3: memref<2x32x40x125xi32, #tpu.memory_space<hbm>>, %arg4: memref<2x10000x16xf32, #tpu.memory_space<hbm>>, %arg5: memref<40x125xi32, #tpu.memory_space<vmem>>, %arg6: memref<40x125xi32, #tpu.memory_space<vmem>>, %arg7: memref<125x16xf32, #tpu.memory_space<vmem>>, %arg8: memref<125x16xf32, #tpu.memory_space<vmem>>, %arg9: memref<125x16xf32, #tpu.memory_space<vmem>>, %arg10: memref<125x16xf32, #tpu.memory_space<vmem>>, %arg11: memref<125x16xf32, #tpu.memory_space<vmem>>, %arg12: memref<10000x16xf32, #tpu.memory_space<vmem_shared>>, %arg13: memref<!tpu.dma_semaphore, #tpu.memory_space<semaphore_mem>>, %arg14: memref<!tpu.dma_semaphore, #tpu.memory_space<semaphore_mem>>, %arg15: memref<!tpu.dma_semaphore, #tpu.memory_space<semaphore_mem>>, %arg16: memref<!tpu.dma_semaphore, #tpu.memory_space<semaphore_mem>>) attributes {dimension_semantics = [#tpu.dimension_semantics<core_parallel>, #tpu.dimension_semantics<subcore_parallel>], iteration_bounds = array<i64: 2, 16>, scalar_prefetch = 0 : i64, scratch_operands = 12 : i64, tpu.core_type = #tpu.core_type<sc_vector_subcore>, window_params = [{transform_indices = #map}, {transform_indices = #map1}, {transform_indices = #map2}]} {
    %mul3A = arith.constant 2 : i32
    %mul3A_0 = arith.muli %arg1, %mul3A : i32
    %add3A = arith.addi %mul3A_0, %arg0 : i32
    %dma_start3A = arith.constant 0 : i32
    %dma_start3A_1 = arith.constant 0 : i32
    %dma_start3A_2 = arith.constant 0 : i32
    %dma_start3A_3 = tpu.memref_slice %arg3[%dma_start3A, %add3A, %dma_start3A_1, %dma_start3A_2] : memref<2x32x40x125xi32, #tpu.memory_space<hbm>> -> memref<1x1x40x125xi32, #tpu.memory_space<hbm>>
    %dma_start3A_4 = tpu.memref_squeeze %dma_start3A_3 : memref<1x1x40x125xi32, #tpu.memory_space<hbm>> -> memref<40x125xi32, #tpu.memory_space<hbm>>
    %dma_start3A_5 = arith.constant 0 : i32
    %dma_start3A_6 = arith.constant 0 : i32
    %dma_start3A_7 = tpu.memref_slice %arg3[%dma_start3A, %add3A, %dma_start3A_5, %dma_start3A_6] : memref<2x32x40x125xi32, #tpu.memory_space<hbm>> -> memref<1x1x40x125xi32, #tpu.memory_space<hbm>>
    %dma_start3A_8 = tpu.memref_squeeze %dma_start3A_7 : memref<1x1x40x125xi32, #tpu.memory_space<hbm>> -> memref<40x125xi32, #tpu.memory_space<hbm>>
    tpu.enqueue_dma source(%dma_start3A_8 : memref<40x125xi32, #tpu.memory_space<hbm>>) target(%arg5 : memref<40x125xi32, #tpu.memory_space<vmem>>) target_semaphore(%arg13 : memref<!tpu.dma_semaphore, #tpu.memory_space<semaphore_mem>>)
    %dma_start3A_9 = arith.constant 1 : i32
    %dma_start3A_10 = arith.constant 0 : i32
    %dma_start3A_11 = arith.constant 0 : i32
    %dma_start3A_12 = tpu.memref_slice %arg3[%dma_start3A_9, %add3A, %dma_start3A_10, %dma_start3A_11] : memref<2x32x40x125xi32, #tpu.memory_space<hbm>> -> memref<1x1x40x125xi32, #tpu.memory_space<hbm>>
    %dma_start3A_13 = tpu.memref_squeeze %dma_start3A_12 : memref<1x1x40x125xi32, #tpu.memory_space<hbm>> -> memref<40x125xi32, #tpu.memory_space<hbm>>
    %dma_start3A_14 = arith.constant 0 : i32
    %dma_start3A_15 = arith.constant 0 : i32
    %dma_start3A_16 = tpu.memref_slice %arg3[%dma_start3A_9, %add3A, %dma_start3A_14, %dma_start3A_15] : memref<2x32x40x125xi32, #tpu.memory_space<hbm>> -> memref<1x1x40x125xi32, #tpu.memory_space<hbm>>
    %dma_start3A_17 = tpu.memref_squeeze %dma_start3A_16 : memref<1x1x40x125xi32, #tpu.memory_space<hbm>> -> memref<40x125xi32, #tpu.memory_space<hbm>>
    tpu.enqueue_dma source(%dma_start3A_17 : memref<40x125xi32, #tpu.memory_space<hbm>>) target(%arg6 : memref<40x125xi32, #tpu.memory_space<vmem>>) target_semaphore(%arg14 : memref<!tpu.dma_semaphore, #tpu.memory_space<semaphore_mem>>)
    %scan3A = arith.constant 0 : i32
    %scan3A_18 = arith.constant 125 : i32
    %scan3A_19 = arith.addi %scan3A, %scan3A_18 : i32
    %scan3A_20 = arith.constant 1 : i32
    scf.for %scan3A_75 = %scan3A to %scan3A_19 step %scan3A_20  : i32 {
      %mul3A_76 = arith.constant 1 : i32
      %mul3A_77 = arith.muli %scan3A_75, %mul3A_76 : i32
      %add3A_78 = arith.constant 0 : i32
      %add3A_79 = arith.addi %add3A_78, %mul3A_77 : i32
      %broadcast_in_dim3A = arith.constant 0.000000e+00 : f32
      %broadcast_in_dim3A_80 = vector.broadcast %broadcast_in_dim3A : f32 to vector<16xf32>
      %swap3A = arith.index_cast %add3A_79 : i32 to index
      %swap3A_81 = arith.constant 0 : index
      %swap3A_82 = tpu.vector_load %arg11[%swap3A, %swap3A_81] {strides = array<i32>} : memref<125x16xf32, #tpu.memory_space<vmem>>, vector<1x16xf32>,
      %swap3A_83 = vector.shape_cast %swap3A_82 : vector<1x16xf32> to vector<16xf32>
      %swap3A_84 = vector.shape_cast %broadcast_in_dim3A_80 : vector<16xf32> to vector<1x16xf32>
      tpu.vector_store %arg11[%swap3A, %swap3A_81], %swap3A_84 {strides = array<i32>} : memref<125x16xf32, #tpu.memory_space<vmem>>, vector<1x16xf32>,
    }
    %scan3A_21 = arith.constant 125 : i32
    %scan3A_22 = arith.constant 0 : i32
    %scan3A_23 = arith.constant 5 : i32
    %scan3A_24 = arith.addi %scan3A_22, %scan3A_23 : i32
    %scan3A_25 = arith.constant 1 : i32
    scf.for %scan3A_75 = %scan3A_22 to %scan3A_24 step %scan3A_25  : i32 {
      %mul3A_76 = arith.constant 1 : i32
      %mul3A_77 = arith.muli %scan3A_75, %mul3A_76 : i32
      %add3A_78 = arith.constant 0 : i32
      %add3A_79 = arith.addi %add3A_78, %mul3A_77 : i32
      %mul3A_80 = arith.constant 625 : i32
      %mul3A_81 = arith.muli %arg1, %mul3A_80 : i32
      %mul3A_82 = arith.constant 125 : i32
      %mul3A_83 = arith.muli %add3A_79, %mul3A_82 : i32
      %add3A_84 = arith.addi %mul3A_81, %mul3A_83 : i32
      "tpu.region"() ({
        %run_scoped3A = tpu.sem_alloc : memref<!tpu.dma_semaphore, #tpu.memory_space<semaphore_mem>>
        %dma_start3A_85 = arith.constant 0 : i32
        %dma_start3A_86 = tpu.memref_slice %arg12[%add3A_84, %dma_start3A_85] : memref<10000x16xf32, #tpu.memory_space<vmem_shared>> -> memref<125x16xf32, #tpu.memory_space<vmem_shared>>
        %dma_start3A_87 = arith.constant 0 : i32
        %dma_start3A_88 = tpu.memref_slice %arg12[%add3A_84, %dma_start3A_87] : memref<10000x16xf32, #tpu.memory_space<vmem_shared>> -> memref<125x16xf32, #tpu.memory_space<vmem_shared>>
        tpu.enqueue_dma source(%arg11 : memref<125x16xf32, #tpu.memory_space<vmem>>) target(%dma_start3A_88 : memref<125x16xf32, #tpu.memory_space<vmem_shared>>) target_semaphore(%run_scoped3A : memref<!tpu.dma_semaphore, #tpu.memory_space<semaphore_mem>>)
        %dma_wait3A_89 = arith.constant 0 : i32
        %dma_wait3A_90 = tpu.memref_slice %arg12[%add3A_84, %dma_wait3A_89] : memref<10000x16xf32, #tpu.memory_space<vmem_shared>> -> memref<125x16xf32, #tpu.memory_space<vmem_shared>>
        %dma_wait3A_91 = arith.constant 0 : i32
        %dma_wait3A_92 = tpu.memref_slice %arg12[%add3A_84, %dma_wait3A_91] : memref<10000x16xf32, #tpu.memory_space<vmem_shared>> -> memref<125x16xf32, #tpu.memory_space<vmem_shared>>
        tpu.wait_dma2 semaphore(%run_scoped3A : memref<!tpu.dma_semaphore, #tpu.memory_space<semaphore_mem>>) src(%arg11 : memref<125x16xf32, #tpu.memory_space<vmem>>) dst(%dma_wait3A_92 : memref<125x16xf32, #tpu.memory_space<vmem_shared>>)
        tpu.yield
      }) : () -> ()
    }
    %scan3A_26 = arith.constant 5 : i32
    %dma_wait3A = arith.constant 0 : i32
    %dma_wait3A_27 = arith.constant 0 : i32
    %dma_wait3A_28 = arith.constant 0 : i32
    %dma_wait3A_29 = tpu.memref_slice %arg3[%dma_wait3A, %add3A, %dma_wait3A_27, %dma_wait3A_28] : memref<2x32x40x125xi32, #tpu.memory_space<hbm>> -> memref<1x1x40x125xi32, #tpu.memory_space<hbm>>
    %dma_wait3A_30 = tpu.memref_squeeze %dma_wait3A_29 : memref<1x1x40x125xi32, #tpu.memory_space<hbm>> -> memref<40x125xi32, #tpu.memory_space<hbm>>
    %dma_wait3A_31 = arith.constant 0 : i32
    %dma_wait3A_32 = arith.constant 0 : i32
    %dma_wait3A_33 = tpu.memref_slice %arg3[%dma_wait3A, %add3A, %dma_wait3A_31, %dma_wait3A_32] : memref<2x32x40x125xi32, #tpu.memory_space<hbm>> -> memref<1x1x40x125xi32, #tpu.memory_space<hbm>>
    %dma_wait3A_34 = tpu.memref_squeeze %dma_wait3A_33 : memref<1x1x40x125xi32, #tpu.memory_space<hbm>> -> memref<40x125xi32, #tpu.memory_space<hbm>>
    tpu.wait_dma2 semaphore(%arg13 : memref<!tpu.dma_semaphore, #tpu.memory_space<semaphore_mem>>) src(%dma_wait3A_34 : memref<40x125xi32, #tpu.memory_space<hbm>>) dst(%arg5 : memref<40x125xi32, #tpu.memory_space<vmem>>)
    %dma_wait3A_35 = arith.constant 1 : i32
    %dma_wait3A_36 = arith.constant 0 : i32
    %dma_wait3A_37 = arith.constant 0 : i32
    %dma_wait3A_38 = tpu.memref_slice %arg3[%dma_wait3A_35, %add3A, %dma_wait3A_36, %dma_wait3A_37] : memref<2x32x40x125xi32, #tpu.memory_space<hbm>> -> memref<1x1x40x125xi32, #tpu.memory_space<hbm>>
    %dma_wait3A_39 = tpu.memref_squeeze %dma_wait3A_38 : memref<1x1x40x125xi32, #tpu.memory_space<hbm>> -> memref<40x125xi32, #tpu.memory_space<hbm>>
    %dma_wait3A_40 = arith.constant 0 : i32
    %dma_wait3A_41 = arith.constant 0 : i32
    %dma_wait3A_42 = tpu.memref_slice %arg3[%dma_wait3A_35, %add3A, %dma_wait3A_40, %dma_wait3A_41] : memref<2x32x40x125xi32, #tpu.memory_space<hbm>> -> memref<1x1x40x125xi32, #tpu.memory_space<hbm>>
    %dma_wait3A_43 = tpu.memref_squeeze %dma_wait3A_42 : memref<1x1x40x125xi32, #tpu.memory_space<hbm>> -> memref<40x125xi32, #tpu.memory_space<hbm>>
    tpu.wait_dma2 semaphore(%arg14 : memref<!tpu.dma_semaphore, #tpu.memory_space<semaphore_mem>>) src(%dma_wait3A_43 : memref<40x125xi32, #tpu.memory_space<hbm>>) dst(%arg6 : memref<40x125xi32, #tpu.memory_space<vmem>>)
    %dma_start3A_44 = arith.constant 0 : i32
    %dma_start3A_45 = arith.constant 0 : i32
    %dma_start3A_46 = tpu.memref_slice %arg5[%dma_start3A_44, %dma_start3A_45] : memref<40x125xi32, #tpu.memory_space<vmem>> -> memref<1x125xi32, #tpu.memory_space<vmem>>
    %dma_start3A_47 = tpu.memref_squeeze %dma_start3A_46 : memref<1x125xi32, #tpu.memory_space<vmem>> -> memref<125xi32, #tpu.memory_space<vmem>>
    %dma_start3A_48 = arith.constant 0 : i32
    %dma_start3A_49 = arith.constant 0 : i32
    %dma_start3A_50 = tpu.memref_slice %arg2[%dma_start3A_48, %dma_start3A_49] : memref<10000x16xf32, #tpu.memory_space<hbm>> -> memref<10000x16xf32, #tpu.memory_space<hbm>>
    tpu.enqueue_indirect_dma source(%dma_start3A_50 : memref<10000x16xf32, #tpu.memory_space<hbm>>) target(%arg7 : memref<125x16xf32, #tpu.memory_space<vmem>>) offsets(%dma_start3A_47 : memref<125xi32, #tpu.memory_space<vmem>>) semaphore(%arg13 : memref<!tpu.dma_semaphore, #tpu.memory_space<semaphore_mem>>)
    %dma_start3A_51 = arith.constant 1 : i32
    %dma_start3A_52 = arith.constant 0 : i32
    %dma_start3A_53 = tpu.memref_slice %arg5[%dma_start3A_51, %dma_start3A_52] : memref<40x125xi32, #tpu.memory_space<vmem>> -> memref<1x125xi32, #tpu.memory_space<vmem>>
    %dma_start3A_54 = tpu.memref_squeeze %dma_start3A_53 : memref<1x125xi32, #tpu.memory_space<vmem>> -> memref<125xi32, #tpu.memory_space<vmem>>
    %dma_start3A_55 = arith.constant 0 : i32
    %dma_start3A_56 = arith.constant 0 : i32
    %dma_start3A_57 = tpu.memref_slice %arg2[%dma_start3A_55, %dma_start3A_56] : memref<10000x16xf32, #tpu.memory_space<hbm>> -> memref<10000x16xf32, #tpu.memory_space<hbm>>
    tpu.enqueue_indirect_dma source(%dma_start3A_57 : memref<10000x16xf32, #tpu.memory_space<hbm>>) target(%arg8 : memref<125x16xf32, #tpu.memory_space<vmem>>) offsets(%dma_start3A_54 : memref<125xi32, #tpu.memory_space<vmem>>) semaphore(%arg14 : memref<!tpu.dma_semaphore, #tpu.memory_space<semaphore_mem>>)
    %dma_start3A_58 = arith.constant 2 : i32
    %dma_start3A_59 = arith.constant 0 : i32
    %dma_start3A_60 = tpu.memref_slice %arg5[%dma_start3A_58, %dma_start3A_59] : memref<40x125xi32, #tpu.memory_space<vmem>> -> memref<1x125xi32, #tpu.memory_space<vmem>>
    %dma_start3A_61 = tpu.memref_squeeze %dma_start3A_60 : memref<1x125xi32, #tpu.memory_space<vmem>> -> memref<125xi32, #tpu.memory_space<vmem>>
    %dma_start3A_62 = arith.constant 0 : i32
    %dma_start3A_63 = arith.constant 0 : i32
    %dma_start3A_64 = tpu.memref_slice %arg2[%dma_start3A_62, %dma_start3A_63] : memref<10000x16xf32, #tpu.memory_space<hbm>> -> memref<10000x16xf32, #tpu.memory_space<hbm>>
    tpu.enqueue_indirect_dma source(%dma_start3A_64 : memref<10000x16xf32, #tpu.memory_space<hbm>>) target(%arg9 : memref<125x16xf32, #tpu.memory_space<vmem>>) offsets(%dma_start3A_61 : memref<125xi32, #tpu.memory_space<vmem>>) semaphore(%arg15 : memref<!tpu.dma_semaphore, #tpu.memory_space<semaphore_mem>>)
    %barrier3A = arith.constant 0 : index
    tpu.barrier barrier_id(%barrier3A)
    %scan3A_65 = arith.constant 0 : i32
    %scan3A_66 = arith.constant 10 : i32
    %scan3A_67 = arith.addi %scan3A_65, %scan3A_66 : i32
    %scan3A_68 = arith.constant 1 : i32
    scf.for %scan3A_75 = %scan3A_65 to %scan3A_67 step %scan3A_68  : i32 {
      %mul3A_76 = arith.constant 4 : i32
      %mul3A_77 = arith.muli %scan3A_75, %mul3A_76 : i32
      %add3A_78 = arith.constant 0 : i32
      %add3A_79 = arith.addi %add3A_78, %mul3A_77 : i32
      %add3A_80 = arith.constant 0 : i32
      %add3A_81 = arith.addi %add3A_79, %add3A_80 : i32
      %dma_wait3A_82 = arith.constant 0 : i32
      %dma_wait3A_83 = tpu.memref_slice %arg5[%add3A_81, %dma_wait3A_82] : memref<40x125xi32, #tpu.memory_space<vmem>> -> memref<1x125xi32, #tpu.memory_space<vmem>>
      %dma_wait3A_84 = tpu.memref_squeeze %dma_wait3A_83 : memref<1x125xi32, #tpu.memory_space<vmem>> -> memref<125xi32, #tpu.memory_space<vmem>>
      %dma_wait3A_85 = arith.constant 0 : i32
      %dma_wait3A_86 = arith.constant 0 : i32
      %dma_wait3A_87 = tpu.memref_slice %arg2[%dma_wait3A_85, %dma_wait3A_86] : memref<10000x16xf32, #tpu.memory_space<hbm>> -> memref<10000x16xf32, #tpu.memory_space<hbm>>
      tpu.wait_indirect_dma semaphore(%arg13 : memref<!tpu.dma_semaphore, #tpu.memory_space<semaphore_mem>>) src(%dma_wait3A_87 : memref<10000x16xf32, #tpu.memory_space<hbm>>) dst(%arg7 : memref<125x16xf32, #tpu.memory_space<vmem>>)
      "tpu.region"() ({
        %run_scoped3A = tpu.sem_alloc : memref<!tpu.dma_semaphore, #tpu.memory_space<semaphore_mem>>
        %dma_start3A_137 = arith.constant 0 : i32
        %dma_start3A_138 = tpu.memref_slice %arg6[%add3A_81, %dma_start3A_137] : memref<40x125xi32, #tpu.memory_space<vmem>> -> memref<1x125xi32, #tpu.memory_space<vmem>>
        %dma_start3A_139 = tpu.memref_squeeze %dma_start3A_138 : memref<1x125xi32, #tpu.memory_space<vmem>> -> memref<125xi32, #tpu.memory_space<vmem>>
        %dma_start3A_140 = arith.constant 0 : i32
        %dma_start3A_141 = arith.constant 0 : i32
        %dma_start3A_142 = tpu.memref_slice %arg12[%dma_start3A_140, %dma_start3A_141] : memref<10000x16xf32, #tpu.memory_space<vmem_shared>> -> memref<10000x16xf32, #tpu.memory_space<vmem_shared>>
        tpu.enqueue_indirect_dma source(%arg7 : memref<125x16xf32, #tpu.memory_space<vmem>>) target(%dma_start3A_142 : memref<10000x16xf32, #tpu.memory_space<vmem_shared>>) offsets(%dma_start3A_139 : memref<125xi32, #tpu.memory_space<vmem>>) semaphore(%run_scoped3A : memref<!tpu.dma_semaphore, #tpu.memory_space<semaphore_mem>>) {add = true}
        %dma_wait3A_143 = arith.constant 0 : i32
        %dma_wait3A_144 = tpu.memref_slice %arg6[%add3A_81, %dma_wait3A_143] : memref<40x125xi32, #tpu.memory_space<vmem>> -> memref<1x125xi32, #tpu.memory_space<vmem>>
        %dma_wait3A_145 = tpu.memref_squeeze %dma_wait3A_144 : memref<1x125xi32, #tpu.memory_space<vmem>> -> memref<125xi32, #tpu.memory_space<vmem>>
        %dma_wait3A_146 = arith.constant 0 : i32
        %dma_wait3A_147 = arith.constant 0 : i32
        %dma_wait3A_148 = tpu.memref_slice %arg12[%dma_wait3A_146, %dma_wait3A_147] : memref<10000x16xf32, #tpu.memory_space<vmem_shared>> -> memref<10000x16xf32, #tpu.memory_space<vmem_shared>>
        tpu.wait_indirect_dma semaphore(%run_scoped3A : memref<!tpu.dma_semaphore, #tpu.memory_space<semaphore_mem>>) src(%arg7 : memref<125x16xf32, #tpu.memory_space<vmem>>) dst(%dma_wait3A_148 : memref<10000x16xf32, #tpu.memory_space<vmem_shared>>)
        tpu.yield
      }) : () -> ()
      %add3A_88 = arith.constant 3 : i32
      %add3A_89 = arith.addi %add3A_81, %add3A_88 : i32
      %lt3A = arith.constant 40 : i32
      %lt3A_90 = arith.cmpi slt, %add3A_89, %lt3A : i32
      %convert_element_type3A = arith.extui %lt3A_90 : i1 to i32
      %cond3A = arith.constant 0 : i32
      %cond3A_91 = arith.cmpi ne, %convert_element_type3A, %cond3A : i32
      scf.if %cond3A_91 {
        %add3A_137 = arith.constant 3 : i32
        %add3A_138 = arith.addi %add3A_81, %add3A_137 : i32
        %dma_start3A_139 = arith.constant 0 : i32
        %dma_start3A_140 = tpu.memref_slice %arg5[%add3A_138, %dma_start3A_139] : memref<40x125xi32, #tpu.memory_space<vmem>> -> memref<1x125xi32, #tpu.memory_space<vmem>>
        %dma_start3A_141 = tpu.memref_squeeze %dma_start3A_140 : memref<1x125xi32, #tpu.memory_space<vmem>> -> memref<125xi32, #tpu.memory_space<vmem>>
        %dma_start3A_142 = arith.constant 0 : i32
        %dma_start3A_143 = arith.constant 0 : i32
        %dma_start3A_144 = tpu.memref_slice %arg2[%dma_start3A_142, %dma_start3A_143] : memref<10000x16xf32, #tpu.memory_space<hbm>> -> memref<10000x16xf32, #tpu.memory_space<hbm>>
        tpu.enqueue_indirect_dma source(%dma_start3A_144 : memref<10000x16xf32, #tpu.memory_space<hbm>>) target(%arg10 : memref<125x16xf32, #tpu.memory_space<vmem>>) offsets(%dma_start3A_141 : memref<125xi32, #tpu.memory_space<vmem>>) semaphore(%arg16 : memref<!tpu.dma_semaphore, #tpu.memory_space<semaphore_mem>>)
      } else {
      }
      %add3A_92 = arith.constant 1 : i32
      %add3A_93 = arith.addi %add3A_79, %add3A_92 : i32
      %dma_wait3A_94 = arith.constant 0 : i32
      %dma_wait3A_95 = tpu.memref_slice %arg5[%add3A_93, %dma_wait3A_94] : memref<40x125xi32, #tpu.memory_space<vmem>> -> memref<1x125xi32, #tpu.memory_space<vmem>>
      %dma_wait3A_96 = tpu.memref_squeeze %dma_wait3A_95 : memref<1x125xi32, #tpu.memory_space<vmem>> -> memref<125xi32, #tpu.memory_space<vmem>>
      %dma_wait3A_97 = arith.constant 0 : i32
      %dma_wait3A_98 = arith.constant 0 : i32
      %dma_wait3A_99 = tpu.memref_slice %arg2[%dma_wait3A_97, %dma_wait3A_98] : memref<10000x16xf32, #tpu.memory_space<hbm>> -> memref<10000x16xf32, #tpu.memory_space<hbm>>
      tpu.wait_indirect_dma semaphore(%arg14 : memref<!tpu.dma_semaphore, #tpu.memory_space<semaphore_mem>>) src(%dma_wait3A_99 : memref<10000x16xf32, #tpu.memory_space<hbm>>) dst(%arg8 : memref<125x16xf32, #tpu.memory_space<vmem>>)
      "tpu.region"() ({
        %run_scoped3A = tpu.sem_alloc : memref<!tpu.dma_semaphore, #tpu.memory_space<semaphore_mem>>
        %dma_start3A_137 = arith.constant 0 : i32
        %dma_start3A_138 = tpu.memref_slice %arg6[%add3A_93, %dma_start3A_137] : memref<40x125xi32, #tpu.memory_space<vmem>> -> memref<1x125xi32, #tpu.memory_space<vmem>>
        %dma_start3A_139 = tpu.memref_squeeze %dma_start3A_138 : memref<1x125xi32, #tpu.memory_space<vmem>> -> memref<125xi32, #tpu.memory_space<vmem>>
        %dma_start3A_140 = arith.constant 0 : i32
        %dma_start3A_141 = arith.constant 0 : i32
        %dma_start3A_142 = tpu.memref_slice %arg12[%dma_start3A_140, %dma_start3A_141] : memref<10000x16xf32, #tpu.memory_space<vmem_shared>> -> memref<10000x16xf32, #tpu.memory_space<vmem_shared>>
        tpu.enqueue_indirect_dma source(%arg8 : memref<125x16xf32, #tpu.memory_space<vmem>>) target(%dma_start3A_142 : memref<10000x16xf32, #tpu.memory_space<vmem_shared>>) offsets(%dma_start3A_139 : memref<125xi32, #tpu.memory_space<vmem>>) semaphore(%run_scoped3A : memref<!tpu.dma_semaphore, #tpu.memory_space<semaphore_mem>>) {add = true}
        %dma_wait3A_143 = arith.constant 0 : i32
        %dma_wait3A_144 = tpu.memref_slice %arg6[%add3A_93, %dma_wait3A_143] : memref<40x125xi32, #tpu.memory_space<vmem>> -> memref<1x125xi32, #tpu.memory_space<vmem>>
        %dma_wait3A_145 = tpu.memref_squeeze %dma_wait3A_144 : memref<1x125xi32, #tpu.memory_space<vmem>> -> memref<125xi32, #tpu.memory_space<vmem>>
        %dma_wait3A_146 = arith.constant 0 : i32
        %dma_wait3A_147 = arith.constant 0 : i32
        %dma_wait3A_148 = tpu.memref_slice %arg12[%dma_wait3A_146, %dma_wait3A_147] : memref<10000x16xf32, #tpu.memory_space<vmem_shared>> -> memref<10000x16xf32, #tpu.memory_space<vmem_shared>>
        tpu.wait_indirect_dma semaphore(%run_scoped3A : memref<!tpu.dma_semaphore, #tpu.memory_space<semaphore_mem>>) src(%arg8 : memref<125x16xf32, #tpu.memory_space<vmem>>) dst(%dma_wait3A_148 : memref<10000x16xf32, #tpu.memory_space<vmem_shared>>)
        tpu.yield
      }) : () -> ()
      %add3A_100 = arith.constant 3 : i32
      %add3A_101 = arith.addi %add3A_93, %add3A_100 : i32
      %lt3A_102 = arith.constant 40 : i32
      %lt3A_103 = arith.cmpi slt, %add3A_101, %lt3A_102 : i32
      %convert_element_type3A_104 = arith.extui %lt3A_103 : i1 to i32
      %cond3A_105 = arith.constant 0 : i32
      %cond3A_106 = arith.cmpi ne, %convert_element_type3A_104, %cond3A_105 : i32
      scf.if %cond3A_106 {
        %add3A_137 = arith.constant 3 : i32
        %add3A_138 = arith.addi %add3A_93, %add3A_137 : i32
        %dma_start3A_139 = arith.constant 0 : i32
        %dma_start3A_140 = tpu.memref_slice %arg5[%add3A_138, %dma_start3A_139] : memref<40x125xi32, #tpu.memory_space<vmem>> -> memref<1x125xi32, #tpu.memory_space<vmem>>
        %dma_start3A_141 = tpu.memref_squeeze %dma_start3A_140 : memref<1x125xi32, #tpu.memory_space<vmem>> -> memref<125xi32, #tpu.memory_space<vmem>>
        %dma_start3A_142 = arith.constant 0 : i32
        %dma_start3A_143 = arith.constant 0 : i32
        %dma_start3A_144 = tpu.memref_slice %arg2[%dma_start3A_142, %dma_start3A_143] : memref<10000x16xf32, #tpu.memory_space<hbm>> -> memref<10000x16xf32, #tpu.memory_space<hbm>>
        tpu.enqueue_indirect_dma source(%dma_start3A_144 : memref<10000x16xf32, #tpu.memory_space<hbm>>) target(%arg7 : memref<125x16xf32, #tpu.memory_space<vmem>>) offsets(%dma_start3A_141 : memref<125xi32, #tpu.memory_space<vmem>>) semaphore(%arg13 : memref<!tpu.dma_semaphore, #tpu.memory_space<semaphore_mem>>)
      } else {
      }
      %add3A_107 = arith.constant 2 : i32
      %add3A_108 = arith.addi %add3A_79, %add3A_107 : i32
      %dma_wait3A_109 = arith.constant 0 : i32
      %dma_wait3A_110 = tpu.memref_slice %arg5[%add3A_108, %dma_wait3A_109] : memref<40x125xi32, #tpu.memory_space<vmem>> -> memref<1x125xi32, #tpu.memory_space<vmem>>
      %dma_wait3A_111 = tpu.memref_squeeze %dma_wait3A_110 : memref<1x125xi32, #tpu.memory_space<vmem>> -> memref<125xi32, #tpu.memory_space<vmem>>
      %dma_wait3A_112 = arith.constant 0 : i32
      %dma_wait3A_113 = arith.constant 0 : i32
      %dma_wait3A_114 = tpu.memref_slice %arg2[%dma_wait3A_112, %dma_wait3A_113] : memref<10000x16xf32, #tpu.memory_space<hbm>> -> memref<10000x16xf32, #tpu.memory_space<hbm>>
      tpu.wait_indirect_dma semaphore(%arg15 : memref<!tpu.dma_semaphore, #tpu.memory_space<semaphore_mem>>) src(%dma_wait3A_114 : memref<10000x16xf32, #tpu.memory_space<hbm>>) dst(%arg9 : memref<125x16xf32, #tpu.memory_space<vmem>>)
      "tpu.region"() ({
        %run_scoped3A = tpu.sem_alloc : memref<!tpu.dma_semaphore, #tpu.memory_space<semaphore_mem>>
        %dma_start3A_137 = arith.constant 0 : i32
        %dma_start3A_138 = tpu.memref_slice %arg6[%add3A_108, %dma_start3A_137] : memref<40x125xi32, #tpu.memory_space<vmem>> -> memref<1x125xi32, #tpu.memory_space<vmem>>
        %dma_start3A_139 = tpu.memref_squeeze %dma_start3A_138 : memref<1x125xi32, #tpu.memory_space<vmem>> -> memref<125xi32, #tpu.memory_space<vmem>>
        %dma_start3A_140 = arith.constant 0 : i32
        %dma_start3A_141 = arith.constant 0 : i32
        %dma_start3A_142 = tpu.memref_slice %arg12[%dma_start3A_140, %dma_start3A_141] : memref<10000x16xf32, #tpu.memory_space<vmem_shared>> -> memref<10000x16xf32, #tpu.memory_space<vmem_shared>>
        tpu.enqueue_indirect_dma source(%arg9 : memref<125x16xf32, #tpu.memory_space<vmem>>) target(%dma_start3A_142 : memref<10000x16xf32, #tpu.memory_space<vmem_shared>>) offsets(%dma_start3A_139 : memref<125xi32, #tpu.memory_space<vmem>>) semaphore(%run_scoped3A : memref<!tpu.dma_semaphore, #tpu.memory_space<semaphore_mem>>) {add = true}
        %dma_wait3A_143 = arith.constant 0 : i32
        %dma_wait3A_144 = tpu.memref_slice %arg6[%add3A_108, %dma_wait3A_143] : memref<40x125xi32, #tpu.memory_space<vmem>> -> memref<1x125xi32, #tpu.memory_space<vmem>>
        %dma_wait3A_145 = tpu.memref_squeeze %dma_wait3A_144 : memref<1x125xi32, #tpu.memory_space<vmem>> -> memref<125xi32, #tpu.memory_space<vmem>>
        %dma_wait3A_146 = arith.constant 0 : i32
        %dma_wait3A_147 = arith.constant 0 : i32
        %dma_wait3A_148 = tpu.memref_slice %arg12[%dma_wait3A_146, %dma_wait3A_147] : memref<10000x16xf32, #tpu.memory_space<vmem_shared>> -> memref<10000x16xf32, #tpu.memory_space<vmem_shared>>
        tpu.wait_indirect_dma semaphore(%run_scoped3A : memref<!tpu.dma_semaphore, #tpu.memory_space<semaphore_mem>>) src(%arg9 : memref<125x16xf32, #tpu.memory_space<vmem>>) dst(%dma_wait3A_148 : memref<10000x16xf32, #tpu.memory_space<vmem_shared>>)
        tpu.yield
      }) : () -> ()
      %add3A_115 = arith.constant 3 : i32
      %add3A_116 = arith.addi %add3A_108, %add3A_115 : i32
      %lt3A_117 = arith.constant 40 : i32
      %lt3A_118 = arith.cmpi slt, %add3A_116, %lt3A_117 : i32
      %convert_element_type3A_119 = arith.extui %lt3A_118 : i1 to i32
      %cond3A_120 = arith.constant 0 : i32
      %cond3A_121 = arith.cmpi ne, %convert_element_type3A_119, %cond3A_120 : i32
      scf.if %cond3A_121 {
        %add3A_137 = arith.constant 3 : i32
        %add3A_138 = arith.addi %add3A_108, %add3A_137 : i32
        %dma_start3A_139 = arith.constant 0 : i32
        %dma_start3A_140 = tpu.memref_slice %arg5[%add3A_138, %dma_start3A_139] : memref<40x125xi32, #tpu.memory_space<vmem>> -> memref<1x125xi32, #tpu.memory_space<vmem>>
        %dma_start3A_141 = tpu.memref_squeeze %dma_start3A_140 : memref<1x125xi32, #tpu.memory_space<vmem>> -> memref<125xi32, #tpu.memory_space<vmem>>
        %dma_start3A_142 = arith.constant 0 : i32
        %dma_start3A_143 = arith.constant 0 : i32
        %dma_start3A_144 = tpu.memref_slice %arg2[%dma_start3A_142, %dma_start3A_143] : memref<10000x16xf32, #tpu.memory_space<hbm>> -> memref<10000x16xf32, #tpu.memory_space<hbm>>
        tpu.enqueue_indirect_dma source(%dma_start3A_144 : memref<10000x16xf32, #tpu.memory_space<hbm>>) target(%arg8 : memref<125x16xf32, #tpu.memory_space<vmem>>) offsets(%dma_start3A_141 : memref<125xi32, #tpu.memory_space<vmem>>) semaphore(%arg14 : memref<!tpu.dma_semaphore, #tpu.memory_space<semaphore_mem>>)
      } else {
      }
      %add3A_122 = arith.constant 3 : i32
      %add3A_123 = arith.addi %add3A_79, %add3A_122 : i32
      %dma_wait3A_124 = arith.constant 0 : i32
      %dma_wait3A_125 = tpu.memref_slice %arg5[%add3A_123, %dma_wait3A_124] : memref<40x125xi32, #tpu.memory_space<vmem>> -> memref<1x125xi32, #tpu.memory_space<vmem>>
      %dma_wait3A_126 = tpu.memref_squeeze %dma_wait3A_125 : memref<1x125xi32, #tpu.memory_space<vmem>> -> memref<125xi32, #tpu.memory_space<vmem>>
      %dma_wait3A_127 = arith.constant 0 : i32
      %dma_wait3A_128 = arith.constant 0 : i32
      %dma_wait3A_129 = tpu.memref_slice %arg2[%dma_wait3A_127, %dma_wait3A_128] : memref<10000x16xf32, #tpu.memory_space<hbm>> -> memref<10000x16xf32, #tpu.memory_space<hbm>>
      tpu.wait_indirect_dma semaphore(%arg16 : memref<!tpu.dma_semaphore, #tpu.memory_space<semaphore_mem>>) src(%dma_wait3A_129 : memref<10000x16xf32, #tpu.memory_space<hbm>>) dst(%arg10 : memref<125x16xf32, #tpu.memory_space<vmem>>)
      "tpu.region"() ({
        %run_scoped3A = tpu.sem_alloc : memref<!tpu.dma_semaphore, #tpu.memory_space<semaphore_mem>>
        %dma_start3A_137 = arith.constant 0 : i32
        %dma_start3A_138 = tpu.memref_slice %arg6[%add3A_123, %dma_start3A_137] : memref<40x125xi32, #tpu.memory_space<vmem>> -> memref<1x125xi32, #tpu.memory_space<vmem>>
        %dma_start3A_139 = tpu.memref_squeeze %dma_start3A_138 : memref<1x125xi32, #tpu.memory_space<vmem>> -> memref<125xi32, #tpu.memory_space<vmem>>
        %dma_start3A_140 = arith.constant 0 : i32
        %dma_start3A_141 = arith.constant 0 : i32
        %dma_start3A_142 = tpu.memref_slice %arg12[%dma_start3A_140, %dma_start3A_141] : memref<10000x16xf32, #tpu.memory_space<vmem_shared>> -> memref<10000x16xf32, #tpu.memory_space<vmem_shared>>
        tpu.enqueue_indirect_dma source(%arg10 : memref<125x16xf32, #tpu.memory_space<vmem>>) target(%dma_start3A_142 : memref<10000x16xf32, #tpu.memory_space<vmem_shared>>) offsets(%dma_start3A_139 : memref<125xi32, #tpu.memory_space<vmem>>) semaphore(%run_scoped3A : memref<!tpu.dma_semaphore, #tpu.memory_space<semaphore_mem>>) {add = true}
        %dma_wait3A_143 = arith.constant 0 : i32
        %dma_wait3A_144 = tpu.memref_slice %arg6[%add3A_123, %dma_wait3A_143] : memref<40x125xi32, #tpu.memory_space<vmem>> -> memref<1x125xi32, #tpu.memory_space<vmem>>
        %dma_wait3A_145 = tpu.memref_squeeze %dma_wait3A_144 : memref<1x125xi32, #tpu.memory_space<vmem>> -> memref<125xi32, #tpu.memory_space<vmem>>
        %dma_wait3A_146 = arith.constant 0 : i32
        %dma_wait3A_147 = arith.constant 0 : i32
        %dma_wait3A_148 = tpu.memref_slice %arg12[%dma_wait3A_146, %dma_wait3A_147] : memref<10000x16xf32, #tpu.memory_space<vmem_shared>> -> memref<10000x16xf32, #tpu.memory_space<vmem_shared>>
        tpu.wait_indirect_dma semaphore(%run_scoped3A : memref<!tpu.dma_semaphore, #tpu.memory_space<semaphore_mem>>) src(%arg10 : memref<125x16xf32, #tpu.memory_space<vmem>>) dst(%dma_wait3A_148 : memref<10000x16xf32, #tpu.memory_space<vmem_shared>>)
        tpu.yield
      }) : () -> ()
      %add3A_130 = arith.constant 3 : i32
      %add3A_131 = arith.addi %add3A_123, %add3A_130 : i32
      %lt3A_132 = arith.constant 40 : i32
      %lt3A_133 = arith.cmpi slt, %add3A_131, %lt3A_132 : i32
      %convert_element_type3A_134 = arith.extui %lt3A_133 : i1 to i32
      %cond3A_135 = arith.constant 0 : i32
      %cond3A_136 = arith.cmpi ne, %convert_element_type3A_134, %cond3A_135 : i32
      scf.if %cond3A_136 {
        %add3A_137 = arith.constant 3 : i32
        %add3A_138 = arith.addi %add3A_123, %add3A_137 : i32
        %dma_start3A_139 = arith.constant 0 : i32
        %dma_start3A_140 = tpu.memref_slice %arg5[%add3A_138, %dma_start3A_139] : memref<40x125xi32, #tpu.memory_space<vmem>> -> memref<1x125xi32, #tpu.memory_space<vmem>>
        %dma_start3A_141 = tpu.memref_squeeze %dma_start3A_140 : memref<1x125xi32, #tpu.memory_space<vmem>> -> memref<125xi32, #tpu.memory_space<vmem>>
        %dma_start3A_142 = arith.constant 0 : i32
        %dma_start3A_143 = arith.constant 0 : i32
        %dma_start3A_144 = tpu.memref_slice %arg2[%dma_start3A_142, %dma_start3A_143] : memref<10000x16xf32, #tpu.memory_space<hbm>> -> memref<10000x16xf32, #tpu.memory_space<hbm>>
        tpu.enqueue_indirect_dma source(%dma_start3A_144 : memref<10000x16xf32, #tpu.memory_space<hbm>>) target(%arg9 : memref<125x16xf32, #tpu.memory_space<vmem>>) offsets(%dma_start3A_141 : memref<125xi32, #tpu.memory_space<vmem>>) semaphore(%arg15 : memref<!tpu.dma_semaphore, #tpu.memory_space<semaphore_mem>>)
      } else {
      }
    }
    %scan3A_69 = arith.constant 10 : i32
    %barrier3A_70 = arith.constant 0 : index
    tpu.barrier barrier_id(%barrier3A_70)
    %mul3A_71 = arith.constant 625 : i32
    %mul3A_72 = arith.muli %arg1, %mul3A_71 : i32
    %mul3A_73 = arith.constant 625 : i32
    %mul3A_74 = arith.muli %arg1, %mul3A_73 : i32
    "tpu.region"() ({
      %run_scoped3A = tpu.sem_alloc : memref<!tpu.dma_semaphore, #tpu.memory_space<semaphore_mem>>
      %dma_start3A_75 = arith.constant 0 : i32
      %dma_start3A_76 = tpu.memref_slice %arg4[%arg0, %mul3A_74, %dma_start3A_75] : memref<2x10000x16xf32, #tpu.memory_space<hbm>> -> memref<1x625x16xf32, #tpu.memory_space<hbm>>
      %dma_start3A_77 = tpu.memref_squeeze %dma_start3A_76 : memref<1x625x16xf32, #tpu.memory_space<hbm>> -> memref<625x16xf32, #tpu.memory_space<hbm>>
      %dma_start3A_78 = arith.constant 0 : i32
      %dma_start3A_79 = tpu.memref_slice %arg12[%mul3A_72, %dma_start3A_78] : memref<10000x16xf32, #tpu.memory_space<vmem_shared>> -> memref<625x16xf32, #tpu.memory_space<vmem_shared>>
      tpu.enqueue_dma source(%dma_start3A_79 : memref<625x16xf32, #tpu.memory_space<vmem_shared>>) target(%dma_start3A_77 : memref<625x16xf32, #tpu.memory_space<hbm>>) target_semaphore(%run_scoped3A : memref<!tpu.dma_semaphore, #tpu.memory_space<semaphore_mem>>)
      %dma_wait3A_80 = arith.constant 0 : i32
      %dma_wait3A_81 = tpu.memref_slice %arg4[%arg0, %mul3A_74, %dma_wait3A_80] : memref<2x10000x16xf32, #tpu.memory_space<hbm>> -> memref<1x625x16xf32, #tpu.memory_space<hbm>>
      %dma_wait3A_82 = tpu.memref_squeeze %dma_wait3A_81 : memref<1x625x16xf32, #tpu.memory_space<hbm>> -> memref<625x16xf32, #tpu.memory_space<hbm>>
      %dma_wait3A_83 = arith.constant 0 : i32
      %dma_wait3A_84 = tpu.memref_slice %arg12[%mul3A_72, %dma_wait3A_83] : memref<10000x16xf32, #tpu.memory_space<vmem_shared>> -> memref<625x16xf32, #tpu.memory_space<vmem_shared>>
      tpu.wait_dma2 semaphore(%run_scoped3A : memref<!tpu.dma_semaphore, #tpu.memory_space<semaphore_mem>>) src(%dma_wait3A_84 : memref<625x16xf32, #tpu.memory_space<vmem_shared>>) dst(%dma_wait3A_82 : memref<625x16xf32, #tpu.memory_space<hbm>>)
      tpu.yield
    }) : () -> ()
    return
  }
}

module attributes {stable_mosaic.version = 14 : i64} {
  func.func @_main_body(%arg0: i32, %arg1: memref<2x2000x16xf32, #tpu.memory_space<vmem>>, %arg2: memref<2000x3xf32, #tpu.memory_space<vmem>>, %arg3: memref<2000x1xi32, #tpu.memory_space<vmem>>, %arg4: memref<5x256xf32, #tpu.memory_space<vmem>>, %arg5: memref<259x512xf32, #tpu.memory_space<vmem>>, %arg6: memref<1x512xf32, #tpu.memory_space<vmem>>, %arg7: memref<512x3xf32, #tpu.memory_space<vmem>>, %arg8: memref<1x3xf32, #tpu.memory_space<vmem>>, %arg9: memref<512x6xf32, #tpu.memory_space<vmem>>, %arg10: memref<1x6xf32, #tpu.memory_space<vmem>>, %arg11: memref<2000x3xf32, #tpu.memory_space<vmem>>, %arg12: memref<2000x6xf32, #tpu.memory_space<vmem>>) attributes {dimension_semantics = [#tpu.dimension_semantics<arbitrary>], iteration_bounds = array<i64: 5>, scalar_prefetch = 0 : i64, scratch_operands = 0 : i64, tpu.core_type = #tpu.core_type<tc>, window_params = [{transform_indices = @transform_0, window_bounds = array<i64: 2, 2000, 16>}, {transform_indices = @transform_1, window_bounds = array<i64: 2000, 3>}, {transform_indices = @transform_2, window_bounds = array<i64: 2000, 1>}, {pipeline_mode = #tpu.pipeline_mode<synchronous>, transform_indices = @transform_3, window_bounds = array<i64: 5, 256>}, {pipeline_mode = #tpu.pipeline_mode<synchronous>, transform_indices = @transform_4, window_bounds = array<i64: 259, 512>}, {pipeline_mode = #tpu.pipeline_mode<synchronous>, transform_indices = @transform_5, window_bounds = array<i64: 1, 512>}, {pipeline_mode = #tpu.pipeline_mode<synchronous>, transform_indices = @transform_6, window_bounds = array<i64: 512, 3>}, {pipeline_mode = #tpu.pipeline_mode<synchronous>, transform_indices = @transform_7, window_bounds = array<i64: 1, 3>}, {pipeline_mode = #tpu.pipeline_mode<synchronous>, transform_indices = @transform_8, window_bounds = array<i64: 512, 6>}, {pipeline_mode = #tpu.pipeline_mode<synchronous>, transform_indices = @transform_9, window_bounds = array<i64: 1, 6>}, {transform_indices = @transform_10, window_bounds = array<i64: 2000, 3>}, {transform_indices = @transform_11, window_bounds = array<i64: 2000, 6>}]} {
    %get3A = arith.constant 0 : index
    %get3A_0 = arith.constant 0 : index
    %get3A_1 = vector.load %arg5[%get3A, %get3A_0] : memref<259x512xf32, #tpu.memory_space<vmem>>, vector<259x512xf32>
    %get3A_2 = arith.constant 0 : index
    %get3A_3 = arith.constant 0 : index
    %get3A_4 = vector.load %arg4[%get3A_2, %get3A_3] : memref<5x256xf32, #tpu.memory_space<vmem>>, vector<5x256xf32>
    %slice3A = vector.extract_strided_slice %get3A_1 {offsets = [3, 0], sizes = [256, 512], strides = [1, 1]} : vector<259x512xf32> to vector<256x512xf32>
    %dot_general3A = arith.constant dense<0.000000e+00> : vector<5x512xf32>
    %dot_general3A_5 = tpu.matmul %get3A_4, %slice3A, %dot_general3A {dimension_numbers = #tpu.dot_dimension_numbers<[1], [0], [0], [1], [0, 0, 1, 1], [], []>, transpose_lhs_hint = false} : vector<5x256xf32>, vector<256x512xf32>, vector<5x512xf32> -> vector<5x512xf32>
    %slice3A_6 = vector.extract_strided_slice %get3A_1 {offsets = [0, 0], sizes = [3, 512], strides = [1, 1]} : vector<259x512xf32> to vector<3x512xf32>
    %concatenate3A = tpu.concatenate %slice3A_6, %dot_general3A_5 in 0 : vector<3x512xf32>, vector<5x512xf32> -> vector<8x512xf32>
    %get3A_7 = arith.constant 0 : index
    %get3A_8 = arith.constant 0 : index
    %get3A_9 = vector.load %arg7[%get3A_7, %get3A_8] : memref<512x3xf32, #tpu.memory_space<vmem>>, vector<512x3xf32>
    %get3A_10 = arith.constant 0 : index
    %get3A_11 = arith.constant 0 : index
    %get3A_12 = vector.load %arg9[%get3A_10, %get3A_11] : memref<512x6xf32, #tpu.memory_space<vmem>>, vector<512x6xf32>
    %concatenate3A_13 = tpu.concatenate %get3A_9, %get3A_12 in 1 : vector<512x3xf32>, vector<512x6xf32> -> vector<512x9xf32>
    %get3A_14 = arith.constant 0 : index
    %get3A_15 = arith.constant 0 : index
    %get3A_16 = vector.load %arg8[%get3A_14, %get3A_15] : memref<1x3xf32, #tpu.memory_space<vmem>>, vector<1x3xf32>
    %get3A_17 = arith.constant 0 : index
    %get3A_18 = arith.constant 0 : index
    %get3A_19 = vector.load %arg10[%get3A_17, %get3A_18] : memref<1x6xf32, #tpu.memory_space<vmem>>, vector<1x6xf32>
    %concatenate3A_20 = tpu.concatenate %get3A_16, %get3A_19 in 1 : vector<1x3xf32>, vector<1x6xf32> -> vector<1x9xf32>
    %get3A_21 = arith.constant 0 : index
    %get3A_22 = arith.constant 0 : index
    %get3A_23 = arith.constant 0 : index
    %get3A_24 = vector.load %arg1[%get3A_21, %get3A_22, %get3A_23] : memref<2x2000x16xf32, #tpu.memory_space<vmem>>, vector<1x2000x16xf32>
    %get3A_25 = vector.shape_cast %get3A_24 : vector<1x2000x16xf32> to vector<2000x16xf32>
    %get3A_26 = arith.constant 1 : index
    %get3A_27 = arith.constant 0 : index
    %get3A_28 = arith.constant 0 : index
    %get3A_29 = vector.load %arg1[%get3A_26, %get3A_27, %get3A_28] : memref<2x2000x16xf32, #tpu.memory_space<vmem>>, vector<1x2000x16xf32>
    %get3A_30 = vector.shape_cast %get3A_29 : vector<1x2000x16xf32> to vector<2000x16xf32>
    %add3A = arith.addf %get3A_25, %get3A_30 : vector<2000x16xf32>
    %slice3A_31 = vector.extract_strided_slice %add3A {offsets = [0, 8], sizes = [2000, 1], strides = [1, 1]} : vector<2000x16xf32> to vector<2000x1xf32>
    %get3A_32 = arith.constant 0 : index
    %get3A_33 = arith.constant 0 : index
    %get3A_34 = vector.load %arg3[%get3A_32, %get3A_33] : memref<2000x1xi32, #tpu.memory_space<vmem>>, vector<2000x1xi32>
    %iota3A = tpu.iota {dimensions = array<i32: 1>} : vector<2000x5xi32>
    %eq3A = vector.broadcast %get3A_34 : vector<2000x1xi32> to vector<2000x5xi32>
    %eq3A_35 = arith.cmpi eq, %eq3A, %iota3A : vector<2000x5xi32>
    %convert_element_type3A = arith.extui %eq3A_35 : vector<2000x5xi1> to vector<2000x5xi32>
    %convert_element_type3A_36 = arith.sitofp %convert_element_type3A : vector<2000x5xi32> to vector<2000x5xf32>
    %get3A_37 = arith.constant 0 : index
    %get3A_38 = arith.constant 0 : index
    %get3A_39 = vector.load %arg2[%get3A_37, %get3A_38] : memref<2000x3xf32, #tpu.memory_space<vmem>>, vector<2000x3xf32>
    %concatenate3A_40 = tpu.concatenate %get3A_39, %convert_element_type3A_36 in 1 : vector<2000x3xf32>, vector<2000x5xf32> -> vector<2000x8xf32>
    %slice3A_41 = vector.extract_strided_slice %add3A {offsets = [0, 0], sizes = [2000, 8], strides = [1, 1]} : vector<2000x16xf32> to vector<2000x8xf32>
    %mul3A = vector.broadcast %slice3A_31 : vector<2000x1xf32> to vector<2000x8xf32>
    %mul3A_42 = arith.mulf %mul3A, %concatenate3A_40 : vector<2000x8xf32>
    %sub3A = arith.subf %slice3A_41, %mul3A_42 : vector<2000x8xf32>
    %dot_general3A_43 = arith.constant dense<0.000000e+00> : vector<2000x512xf32>
    %dot_general3A_44 = tpu.matmul %sub3A, %concatenate3A, %dot_general3A_43 {dimension_numbers = #tpu.dot_dimension_numbers<[1], [0], [0], [1], [0, 0, 1, 1], [], []>, transpose_lhs_hint = false} : vector<2000x8xf32>, vector<8x512xf32>, vector<2000x512xf32> -> vector<2000x512xf32>
    %get3A_45 = arith.constant 0 : index
    %get3A_46 = arith.constant 0 : index
    %get3A_47 = vector.load %arg6[%get3A_45, %get3A_46] : memref<1x512xf32, #tpu.memory_space<vmem>>, vector<1x512xf32>
    %mul3A_48 = vector.broadcast %slice3A_31 : vector<2000x1xf32> to vector<2000x512xf32>
    %mul3A_49 = vector.broadcast %get3A_47 : vector<1x512xf32> to vector<2000x512xf32>
    %mul3A_50 = arith.mulf %mul3A_48, %mul3A_49 : vector<2000x512xf32>
    %add3A_51 = arith.addf %dot_general3A_44, %mul3A_50 : vector<2000x512xf32>
    %max3A = arith.constant 0.000000e+00 : f32
    %max3A_52 = vector.broadcast %max3A : f32 to vector<2000x512xf32>
    %max3A_53 = arith.maximumf %add3A_51, %max3A_52 : vector<2000x512xf32>
    %dot_general3A_54 = arith.constant dense<0.000000e+00> : vector<2000x9xf32>
    %dot_general3A_55 = tpu.matmul %max3A_53, %concatenate3A_13, %dot_general3A_54 {dimension_numbers = #tpu.dot_dimension_numbers<[1], [0], [0], [1], [0, 0, 1, 1], [], []>, transpose_lhs_hint = false} : vector<2000x512xf32>, vector<512x9xf32>, vector<2000x9xf32> -> vector<2000x9xf32>
    %add3A_56 = vector.broadcast %concatenate3A_20 : vector<1x9xf32> to vector<2000x9xf32>
    %add3A_57 = arith.addf %dot_general3A_55, %add3A_56 : vector<2000x9xf32>
    %slice3A_58 = vector.extract_strided_slice %add3A_57 {offsets = [0, 0], sizes = [2000, 3], strides = [1, 1]} : vector<2000x9xf32> to vector<2000x3xf32>
    %swap3A = arith.constant 0 : index
    %swap3A_59 = arith.constant 0 : index
    %swap3A_60 = vector.load %arg11[%swap3A, %swap3A_59] : memref<2000x3xf32, #tpu.memory_space<vmem>>, vector<2000x3xf32>
    tpu.vector_store %arg11[%swap3A, %swap3A_59], %slice3A_58 {strides = array<i32>} : memref<2000x3xf32, #tpu.memory_space<vmem>>, vector<2000x3xf32>,
    %slice3A_61 = vector.extract_strided_slice %add3A_57 {offsets = [0, 3], sizes = [2000, 6], strides = [1, 1]} : vector<2000x9xf32> to vector<2000x6xf32>
    %swap3A_62 = arith.constant 0 : index
    %swap3A_63 = arith.constant 0 : index
    %swap3A_64 = vector.load %arg12[%swap3A_62, %swap3A_63] : memref<2000x6xf32, #tpu.memory_space<vmem>>, vector<2000x6xf32>
    tpu.vector_store %arg12[%swap3A_62, %swap3A_63], %slice3A_61 {strides = array<i32>} : memref<2000x6xf32, #tpu.memory_space<vmem>>, vector<2000x6xf32>,
    return
  }
  func.func @transform_0(%arg0: i32) -> (i32, i32, i32) {
    %c0_i32 = arith.constant 0 : i32
    %c0_i32_0 = arith.constant 0 : i32
    %c0_i32_1 = arith.constant 0 : i32
    return %c0_i32, %arg0, %c0_i32_0 : i32, i32, i32
  }
  func.func @transform_1(%arg0: i32) -> (i32, i32) {
    %c0_i32 = arith.constant 0 : i32
    %c0_i32_0 = arith.constant 0 : i32
    return %arg0, %c0_i32 : i32, i32
  }
  func.func @transform_2(%arg0: i32) -> (i32, i32) {
    %c0_i32 = arith.constant 0 : i32
    %c0_i32_0 = arith.constant 0 : i32
    return %arg0, %c0_i32 : i32, i32
  }
  func.func @transform_3(%arg0: i32) -> (i32, i32) {
    %c0_i32 = arith.constant 0 : i32
    %c0_i32_0 = arith.constant 0 : i32
    %c0_i32_1 = arith.constant 0 : i32
    return %c0_i32, %c0_i32_0 : i32, i32
  }
  func.func @transform_4(%arg0: i32) -> (i32, i32) {
    %c0_i32 = arith.constant 0 : i32
    %c0_i32_0 = arith.constant 0 : i32
    %c0_i32_1 = arith.constant 0 : i32
    return %c0_i32, %c0_i32_0 : i32, i32
  }
  func.func @transform_5(%arg0: i32) -> (i32, i32) {
    %c0_i32 = arith.constant 0 : i32
    %c0_i32_0 = arith.constant 0 : i32
    %c0_i32_1 = arith.constant 0 : i32
    return %c0_i32, %c0_i32_0 : i32, i32
  }
  func.func @transform_6(%arg0: i32) -> (i32, i32) {
    %c0_i32 = arith.constant 0 : i32
    %c0_i32_0 = arith.constant 0 : i32
    %c0_i32_1 = arith.constant 0 : i32
    return %c0_i32, %c0_i32_0 : i32, i32
  }
  func.func @transform_7(%arg0: i32) -> (i32, i32) {
    %c0_i32 = arith.constant 0 : i32
    %c0_i32_0 = arith.constant 0 : i32
    %c0_i32_1 = arith.constant 0 : i32
    return %c0_i32, %c0_i32_0 : i32, i32
  }
  func.func @transform_8(%arg0: i32) -> (i32, i32) {
    %c0_i32 = arith.constant 0 : i32
    %c0_i32_0 = arith.constant 0 : i32
    %c0_i32_1 = arith.constant 0 : i32
    return %c0_i32, %c0_i32_0 : i32, i32
  }
  func.func @transform_9(%arg0: i32) -> (i32, i32) {
    %c0_i32 = arith.constant 0 : i32
    %c0_i32_0 = arith.constant 0 : i32
    %c0_i32_1 = arith.constant 0 : i32
    return %c0_i32, %c0_i32_0 : i32, i32
  }
  func.func @transform_10(%arg0: i32) -> (i32, i32) {
    %c0_i32 = arith.constant 0 : i32
    %c0_i32_0 = arith.constant 0 : i32
    return %arg0, %c0_i32 : i32, i32
  }
  func.func @transform_11(%arg0: i32) -> (i32, i32) {
    %c0_i32 = arith.constant 0 : i32
    %c0_i32_0 = arith.constant 0 : i32
    return %arg0, %c0_i32 : i32, i32
  }
}

</mosaic_0001>

<sc_bundles>
// kernel: kernel.4.cloned.1.call-start
scs
__scs_entry_jumppad:
0x0: {  	(pc) =	sbr.rel $0x88, $3  }
0x1: {  	(tag) =	ssettag $0x0;
	lr =	simm.s32 $0x1  }
0x2: {  	[smem:$0x3F97] =	sst lr;
	_ =	strace $0xD0000000  }
0x3: {  	_ = 	snop  }
0x4: {  	_ = 	snop  }
0x5: {  	_ = 	snop  }
0x6: {  	_ = 	snop  }
0x7: {  	_ = 	snop  }
__scs_overlays_trampoline_lowered:
0x8: {  	[smem:$0x3FA6] =	sst s0  }
0x9: {  	[smem:$0x3FA7] =	sst s1  }
0xa: {  	[smem:$0x3FA8] =	sst s2  }
0xb: {  	[smem:$0x3FA9] =	sst s3  }
0xc: {  	[smem:$0x3FAA] =	sst s4  }
0xd: {  	[smem:$0x3FAB] =	sst s5  }
0xe: {  	[smem:$0x3FAC] =	sst s6  }
0xf: {  	[smem:$0x3FAD] =	sst s7  }
0x10: {  	[smem:$0x3FAE] =	sst s8  }
0x11: {  	[smem:$0x3FAF] =	sst s9;
	s0 =	simm.s32 @!p0 $0x0  }
0x12: {  	s1 =	sld [smem:$0x3F95];
	s0 =	simm.s32 @p0 $0x1  }
0x13: {  	[smem:$0x3FB0] =	sst s0;
	s0 =	simm.s32 @!p1 $0x0  }
0x14: {  	s2 =	sld [smem:$0x3F94];
	s0 =	simm.s32 @p1 $0x1  }
0x15: {  	[smem:$0x3FB1] =	sst s0;
	s0 =	simm.s32 @!p2 $0x0  }
0x16: {  	s3 =	sld [smem:$0x3FDB];
	s0 =	simm.s32 @p2 $0x1  }
0x17: {  	s4 =	simm.s32 $0x1BF5;
	[smem:$0x3FB3] =	sst s0  }
0x18: {  	s0 =	sld [smem:$0x3F96];
	_ =	swait.ge [sflag:s4], $0x0  }
0x19: {  	s7 =	sld [smem:$0x3F97]  }
0x1a: {  	s8 =	sadd.s32 $0xFFFFE003, lr  }
0x1b: {  	s9 =	sadd.s32 $0xFFFFFEF7, lr;
	s5 =	simm.s32 $0xFFFFFFFF;
	p2 =	slt.u32 s8, $0xFFFFF086  }
0x1c: {  	p1 =	slt.u32 s9, $0xF7A;
	s5 =	simm.s32 @!p2 $0x0  }
0x1d: {  	s5 =	simm.s32 @p1 $0x1;
	p0 =	seq.s32 s7, s2  }
0x1e: {  	s7 =	smul.u32 @!p0 $0xF7A, s2;
	p2 =	seq.s32 @!p0 s5, $0x0  }
0x1f: {  	s9 =	smul.u32 $0xF7A, s1;
	s8 =	simm.s32 @!p0 $0x1BF5;
	p2 =	por !p2, p0  }
0x20: {  	[sflag:s8] =	ssyncset.s32 @!p0 $0xFFFFF086;
	s6 =	sadd.s32 @!p0 s3, s7;
	s7 =	simm.s32 @!p0 $0x108  }
0x21: {  	s3 =	sadd.s32 s3, s9;
	s6 =	sadd.s32 @!p0 $0x88, s6;
	s7 =	simm.s32 @p2 $0x1082  }
0x22: {  	[simem:s7], [sflag:s8] =	dma.local @!p0 [hbm:s6], $0xF7A  }
0x23: {  	s9 =	sor.u32 $0xD0000000, s2;
	s6 =	simm.s32 $0x108;
	_ =	swait.ge @!p0 [sflag:s8], $0x0  }
0x24: {  	s3 =	sadd.s32 $0x88, s3;
	s6 =	simm.s32 @!p1 $0x1082;
	[sflag:s4] =	ssyncset.s32 $0xFFFFF086  }
0x25: {  	[simem:s6], [sflag:s4] =	dma.local [hbm:s3], $0xF7A  }
0x26: {  	[smem:$0x3F97] =	sst s1;
	(tag) =	ssettag s2;
	_ =	strace s9  }
0x27: {  	s1 =	sld [smem:$0x3FA7]  }
0x28: {  	s2 =	sld [smem:$0x3FA8]  }
0x29: {  	s4 =	sld [smem:$0x3FAA]  }
0x2a: {  	p0 =	seq.s32 s5, $0x0;
	s5 =	sld [smem:$0x3FAB]  }
0x2b: {  	s6 =	sld [smem:$0x3FAC]  }
0x2c: {  	s7 =	sld [smem:$0x3FAD]  }
0x2d: {  	s3 =	simm.s32 $0x108;
	s8 =	sld [smem:$0x3FAE]  }
0x2e: {  	s3 =	simm.s32 @!p0 $0x1082;
	s9 =	sld [smem:$0x3FAF]  }
0x2f: {  	lr =	sadd.s32 s0, s3;
	s0 =	sld [smem:$0x3FA6]  }
0x30: {  	s3 =	sld [smem:$0x3FA9]  }
0x31: {  	[smem:$0x3FB2] =	sst s10  }
0x32: {  	s10 =	sld [smem:$0x3FB0];
	_ =	sdelay $0x3  }
0x33: {  	p0 =	seq.s32 s10, $0x1;
	s10 =	sld [smem:$0x3FB2];
	_ =	sdelay $0x3  }
0x34: {  	[smem:$0x3FB2] =	sst s10  }
0x35: {  	s10 =	sld [smem:$0x3FB1];
	_ =	sdelay $0x3  }
0x36: {  	p1 =	seq.s32 s10, $0x1;
	s10 =	sld [smem:$0x3FB2];
	_ =	sdelay $0x3  }
0x37: {  	[smem:$0x3FB2] =	sst s10  }
0x38: {  	s10 =	sld [smem:$0x3FB3]  }
0x39: {  	_ = 	snop;
	(pc) =	sbr.ind lr, $3  }
0x3a: {  	_ = 	snop  }
0x3b: {  	_ = 	snop  }
0x3c: {  	p2 =	seq.s32 s10, $0x1;
	s10 =	sld [smem:$0x3FB2]  }
0x3d: {  	_ =	shalt  }
0x3e: {  	_ =	shalt  }
0x3f: {  	_ =	shalt  }
0x40: {  	_ =	shalt  }
0x41: {  	_ =	shalt  }
0x42: {  	_ =	shalt  }
0x43: {  	_ =	shalt  }
0x44: {  	_ =	shalt  }
0x45: {  	_ =	shalt  }
0x46: {  	_ =	shalt  }
0x47: {  	_ =	shalt  }
0x48: {  	_ =	shalt  }
0x49: {  	_ =	shalt  }
0x4a: {  	_ =	shalt  }
0x4b: {  	_ =	shalt  }
0x4c: {  	_ =	shalt  }
0x4d: {  	_ =	shalt  }
0x4e: {  	_ =	shalt  }
0x4f: {  	_ =	shalt  }
0x50: {  	_ =	shalt  }
0x51: {  	_ =	shalt  }
0x52: {  	_ =	shalt  }
0x53: {  	_ =	shalt  }
0x54: {  	_ =	shalt  }
0x55: {  	_ =	shalt  }
0x56: {  	_ =	shalt  }
0x57: {  	_ =	shalt  }
0x58: {  	_ =	shalt  }
0x59: {  	_ =	shalt  }
0x5a: {  	_ =	shalt  }
0x5b: {  	_ =	shalt  }
0x5c: {  	_ =	shalt  }
0x5d: {  	_ =	shalt  }
0x5e: {  	_ =	shalt  }
0x5f: {  	_ =	shalt  }
0x60: {  	_ =	shalt  }
0x61: {  	_ =	shalt  }
0x62: {  	_ =	shalt  }
0x63: {  	_ =	shalt  }
0x64: {  	_ =	shalt  }
0x65: {  	_ =	shalt  }
0x66: {  	_ =	shalt  }
0x67: {  	_ =	shalt  }
0x68: {  	_ =	shalt  }
0x69: {  	_ =	shalt  }
0x6a: {  	_ =	shalt  }
0x6b: {  	_ =	shalt  }
0x6c: {  	_ =	shalt  }
0x6d: {  	_ =	shalt  }
0x6e: {  	_ =	shalt  }
0x6f: {  	_ =	shalt  }
0x70: {  	_ =	shalt  }
0x71: {  	_ =	shalt  }
0x72: {  	_ =	shalt  }
0x73: {  	_ =	shalt  }
0x74: {  	_ =	shalt  }
0x75: {  	_ =	shalt  }
0x76: {  	_ =	shalt  }
0x77: {  	_ =	shalt  }
0x78: {  	_ =	shalt  }
0x79: {  	_ =	shalt  }
0x7a: {  	_ =	shalt  }
0x7b: {  	_ =	shalt  }
0x7c: {  	_ =	shalt  }
0x7d: {  	_ =	shalt  }
0x7e: {  	_ =	shalt  }
0x7f: {  	_ =	shalt  }
0x80: {  	_ =	shalt  }
0x81: {  	_ =	shalt  }
0x82: {  	_ =	shalt  }
0x83: {  	_ =	shalt  }
0x84: {  	_ =	shalt  }
0x85: {  	_ =	shalt  }
0x86: {  	_ =	shalt  }
0x87: {  	_ =	shalt  }
.Lfunc_end0:
.L_simem_size_0:
called_computation_lowered:
.L_overlay_start_0:
0x88: {  	s2 =	sld [smem:$0x3FD9]  }
0x89: {  	s3 =	sld [smem:$0x3FFE];
	_ =	sdelay $0x1  }
0x8a: {  	s1 =	srdreg.scid  }
0x8b: {  	s0 =	sand.u32 $0x1, s1  }
0x8c: {  	s16 =	sshll.u32 s0, $0xA;
	s2 =	sadd.s32 s3, s2  }
0x8d: {  	s2 =	sadd.s32 s2, s16  }
0x8e: {  	[smem:$0x3FBE] =	sst s2  }
0x8f: {  	_ = 	snop  }
0x90: {  	(tm) =	ssettm $0x1  }
0x91: {  	s17 =	sld [smem:$0x3FFB];
	_ =	sdelay $0x3  }
0x92: {  	_ =	strace s17  }
0x93: {  	s2 =	sld [smem:$0x3FFC];
	_ =	sdelay $0x3  }
0x94: {  	_ =	strace s2  }
0x95: {  	s2 =	sld [smem:$0x3FFD];
	_ =	sdelay $0x3  }
0x96: {  	_ =	strace s2  }
0x97: {  	_ =	strace $0x8FFFFFFF  }
0x98: {  	s18 =	sld [smem:$0x3FDB];
	_ =	sdelay $0x1  }
0x99: {  	s19 =	simm.s32 $_scs_section_size  }
0x9a: {  	s4 =	simm.s32 $_size__tile_overlayer_lowered;
	s5 =	simm.s32 $_tile_overlayer_lowered  }
0x9b: {  	s22 =	simm.s32 $0x1BFF;
	s21 =	sshll.u32 s5, $0x1;
	s2 =	sadd.s32 s19, s18  }
0x9c: {  	s6 =	simm.s32 $0x0;
	s20 =	sshll.u32 s4, $0x1;
	s4 =	sadd.s32 s21, s2  }
0x9d: {  	[timem:s6], [sflag:s22] =	dma.local [hbm:s4], s20  }
0x9e: {  	_ =	swait.ge [sflag:s22], s20  }
0x9f: {  	s3 =	ssub.s32 $0x0, s20;
	[sflag:s22] =	ssyncset.done $0x0  }
0xa0: {  	[sflag:s22] =	ssyncadd.s32 s3;
	_ =	sdelay $0x1  }
0xa1: {  	s23 =	simm.s32 $0x1B8B  }
0xa2: {  	_ =	swait.ge [sflag:s23], $0x1  }
0xa3: {  	[sflag:s23] =	ssyncset.done $0x0  }
0xa4: {  	s25 =	simm.s32 $0x1B8E;
	s24 =	sld [smem:$0x3FFE];
	[sflag:s23] =	ssyncadd.s32 $0xFFFFFFFF  }
0xa5: {  	s26 =	simm.s32 $execute0_lowered;
	[smem:$0x3FD2] =	sst s25  }
0xa6: {  	s4 =	sshll.u32 s26, $0x1;
	_ =	strace $0x80000046;
	[dreg:$0x1] =	wrdreg $0xFFFFFFFF  }
0xa7: {  	s28 =	simm.s32 $_size_execute0_lowered;
	s2 =	sadd.s32 s2, s4;
	[dreg:$0x0] =	wrdreg $0x0  }
0xa8: {  	s4 =	sshll.u32 s28, $0x1;
	[dreg:$0x2] =	wrdreg s2  }
0xa9: {  	[dreg:$0x3] =	wrdreg s4  }
0xaa: {  	[dreg:$0x4] =	wrdreg $0xC0  }
0xab: {  	_ =	task [dreg:s6], $0x5FFFF  }
0xac: {  	[dreg:$0x1] =	wrdreg $0xFFFFFFFF  }
0xad: {  	[dreg:$0x0] =	wrdreg $0x60  }
0xae: {  	[dreg:$0x2] =	wrdreg s24  }
0xaf: {  	[dreg:$0x3] =	wrdreg $0x4F100  }
0xb0: {  	[dreg:$0x4] =	wrdreg $0x9  }
0xb1: {  	_ =	task.clear_ibuf [dreg:s6], $0x5FFFF;
	_ =	strace $0x90000046  }
0xb2: {  	s29 =	simm.s32 $0x9;
	_ =	strace $0x80000048  }
0xb3: {  	_ =	swait.ge [sflag:s29], $0x1  }
0xb4: {  	[sflag:s29] =	ssyncadd.s32 $0xFFFFFFFF  }
0xb5: {  	_ =	strace $0x90000048  }
0xb6: {  	_ =	sfence  }
0xb7: {  	s30 =	sld [smem:$0x0];
	_ =	sdelay $0x2  }
0xb8: {  	s31 =	sshll.u32 s1, $0xD;
	s1 =	sshrl.u32 s1, $0x2  }
0xb9: {  	s3 =	sand.u32 $0x4000, s31;
	s1 =	sadd.s32 s1, s30  }
0xba: {  	s0 =	sor.u32 s3, s0;
	s1 =	sshll.u32 s1, $0x11  }
0xbb: {  	s0 =	sor.u32 s1, s0  }
0xbc: {  	s0 =	sadd.s32 $0x8F2B, s0  }
0xbd: {  	[sflag:s0] =	ssyncadd.remote.s32 $0x1  }
0xbe: {  	_ =	sfence.sel $0xFFFF  }
0xbf: {  	[dreg:$0x0] =	wrdreg $0xFFFFFFFF;
	(pc) =	sbr.abs _section_cstart, $3  }
0xc0: {  	[dreg:$0x1] =	wrdreg $0xFFFFFFFF  }
0xc1: {  	_ =	task.clear_ibuf [dreg:s6], $0x2FFFF;
	_ =	strace $0x9FFFFFFF  }
0xc2: {  	(tm) =	ssettm $0x7FFFFFFF  }
0xc3: {  	_ =	shalt  }
tec
execute0_lowered:
.L_overlay_start_1:
0x0: {  	(tag) =	ssettag $0x1  }
0x1: {  	s0 =	srdreg.scid;
	s5 =	rddreg [dreg:$0x0]  }
0x2: {  	s7 =	stileid.u32;
	s2 =	rddreg [dreg:$0x1];
	s3 =	simm.s32 $0x0  }
0x3: {  	s15 =	simm.s32 $0x4740;
	s16 =	simm.s32 $0x5;
	s17 =	simm.s32 $0x1  }
0x4: {  	s18 =	simm.s32 $0x2;
	s19 =	simm.s32 $0x7D;
	s20 =	simm.s32 $0x2800  }
0x5: {  	s22 =	simm.s32 $0x2FD0;
	s24 =	simm.s32 $0x37A0;
	s26 =	simm.s32 $0x3F70  }
0x6: {  	s28 =	simm.s32 $0x3;
	s29 =	simm.s32 $0x4;
	s14 =	simm.s32 $0x2780  }
0x7: {  	s21 =	simm.s32 $0x0;
	s0 =	sand.u32 $0x1, s0;
	s9 =	smul.u32 $0x2710, s7  }
0x8: {  	s1 =	sshll.u32 s7, $0x1;
	[smem:$0x7FF] =	sst s3;
	s7 =	smul.u32 $0x9C40, s7  }
0x9: {  	s4 =	sadd.s32 $0x1800, s5;
	s1 =	sor.u32 s0, s1;
	s6 =	smul.u32 $0x27100, s0  }
0xa: {  	_ =	strace $0x80000047;
	s0 =	ssub.s32 $0x2, s0;
	s1 =	smul.u32 $0x1400, s1  }
0xb: {  	s30 =	sshrl.u32 s0, $0x1;
	s10 =	sshrl.u32 s7, $0x2;
	s31 =	sadd.s32 s9, s2  }
0xc: {  	s6 =	sadd.s32 s9, s6;
	s0 =	ssub.s32 s0, s30;
	s25 =	sshrl.u32 s31, $0x3  }
0xd: {  	s1 =	sshrl.u32 s1, $0x3;
	s6 =	sshrl.u32 s6, $0x3;
	s9 =	smax.u32 s0, $0x1  }
0xe: {  	s0 =	simm.s32 $0x2700;
	s1 =	sadd.s32 s1, s5;
	s8 =	sadd.s32 s6, s5  }
0xf: {  	s5 =	sadd.s32 $0x6800, s1;
	s7 =	sadd.s32 $0x10800, s8;
	s8 =	sadd.s32 s10, s2  }
0x10: {  	s6 =	sadd.s32 $0xB800, s1;
	s1 =	simm.s32 $0x2680;
	s10 =	sadd.s32 $0x7D0, s8  }
0x11: {  	v0 =	vimm.f32 $0.0e+00;
	s11 =	sadd.s32 $0xFA0, s8;
	s12 =	sadd.s32 $0x1770, s8;
	s13 =	sadd.s32 $0x1F40, s8  }
.LBB2_1:
0x12: {  	[tilespmem:s3], [sflag:$0x1] =	stream.linear.gather [hbm4b:s5+s3], $0x1400, $0x38;
	[tilespmem:$0x7620] =	vst v63  }
0x13: {  	s23 =	simm.s32 $0x1400  }
0x14: {  	[tilespmem:s23], [sflag:$0x2] =	stream.linear.gather [hbm4b:s6+s3], $0x1400, $0x38;
	[tilespmem:$0x7620] =	vst v63  }
0x15: {  	s30 =	simm.s32 $0x0;
	s23 =	simm.s32 $0x40  }
.LBB2_2:
0x16: {  	p0 =	sne.s32 s23, $0x1F00;
	[tilespmem:s30+$0x4740] =	vst v0;
	s30 =	smov.u32 s23;
	s23 =	sadd.s32 $0x40, s23  }
.Ltmp0:
0x17: {  	(pc) =	sbr.rel @p0 .LBB2_2-.Ltmp0, $2  }
0x18: {  	_ =	sdelay $0x2  }
0x19: {  	s30 =	sshra.s32 s30, $0x2  }
0x1a: {  	[tilespmem:s30+$0x4740] =	vst v0  }
0x1b: {  	[spmem:s8] =	stream.linear.scatter [tilespmem:s15], [sflag:$0x5], $0x7D0, $0x38;
	[tilespmem:$0x7620] =	vst v63  }
0x1c: {  	_ =	swait.ge [sflag:s16], $0x7D0  }
0x1d: {  	[sflag:s16] =	ssyncset.done $0x0  }
0x1e: {  	[sflag:s16] =	ssyncadd.s32 $0xFFFFF830  }
0x1f: {  	[spmem:s10] =	stream.linear.scatter [tilespmem:s15], [sflag:$0x5], $0x7D0, $0x38;
	[tilespmem:$0x7620] =	vst v63  }
0x20: {  	_ =	swait.ge [sflag:s16], $0x7D0  }
0x21: {  	[sflag:s16] =	ssyncset.done $0x0  }
0x22: {  	[sflag:s16] =	ssyncadd.s32 $0xFFFFF830  }
0x23: {  	[spmem:s11] =	stream.linear.scatter [tilespmem:s15], [sflag:$0x5], $0x7D0, $0x38;
	[tilespmem:$0x7620] =	vst v63  }
0x24: {  	_ =	swait.ge [sflag:s16], $0x7D0  }
0x25: {  	[sflag:s16] =	ssyncset.done $0x0  }
0x26: {  	[sflag:s16] =	ssyncadd.s32 $0xFFFFF830  }
0x27: {  	[spmem:s12] =	stream.linear.scatter [tilespmem:s15], [sflag:$0x5], $0x7D0, $0x38;
	[tilespmem:$0x7620] =	vst v63  }
0x28: {  	_ =	swait.ge [sflag:s16], $0x7D0  }
0x29: {  	[sflag:s16] =	ssyncset.done $0x0  }
0x2a: {  	[sflag:s16] =	ssyncadd.s32 $0xFFFFF830  }
0x2b: {  	[spmem:s13] =	stream.linear.scatter [tilespmem:s15], [sflag:$0x5], $0x7D0, $0x38;
	[tilespmem:$0x7620] =	vst v63  }
0x2c: {  	_ =	swait.ge [sflag:s16], $0x7D0  }
0x2d: {  	[sflag:s16] =	ssyncset.done $0x0  }
0x2e: {  	[sflag:s16] =	ssyncadd.s32 $0xFFFFF830  }
0x2f: {  	_ =	swait.ge [sflag:s17], $0x1400  }
0x30: {  	[sflag:s17] =	ssyncset.done $0x0  }
0x31: {  	[sflag:s17] =	ssyncadd.s32 $0xFFFFEC00  }
0x32: {  	_ =	swait.ge [sflag:s18], $0x1400  }
0x33: {  	[sflag:s18] =	ssyncset.done $0x0  }
0x34: {  	s23 =	simm.s32 $0x0;
	[sflag:s18] =	ssyncadd.s32 $0xFFFFEC00  }
0x35: {  	[tilespmem:s20], [sflag:$0x1] =	stream.indirect.gather [hbm4b:s4+s19], $0x10, s23, s19, $0xb8;
	[tilespmem:$0x7620] =	vst v63  }
0x36: {  	s31 =	simm.s32 $0x80  }
0x37: {  	[tilespmem:s22], [sflag:$0x2] =	stream.indirect.gather [hbm4b:s4+s19], $0x10, s31, s19, $0xb8;
	[tilespmem:$0x7620] =	vst v63  }
0x38: {  	s31 =	simm.s32 $0x100  }
0x39: {  	[tilespmem:s24], [sflag:$0x3] =	stream.indirect.gather [hbm4b:s4+s19], $0x10, s31, s19, $0xb8;
	[tilespmem:$0x7620] =	vst v63  }
0x3a: {  	[bflag:$0x0] =	sbarrier.arrive $0xFFFF  }
0x3b: {  	_ =	swait.ge [sflag:s17], $0x7D0  }
0x3c: {  	[sflag:s17] =	ssyncset.done $0x0  }
0x3d: {  	s31 =	simm.s32 $0x1400;
	[sflag:s17] =	ssyncadd.s32 $0xFFFFF830  }
0x3e: {  	[spmem:s2] =	stream.indirect.scatter.add.f32 [tilespmem:s20], [sflag:$0x5], $0x10, s31, s19, $0xb8;
	[tilespmem:$0x7620] =	vst v63  }
0x3f: {  	_ =	swait.ge [sflag:s16], $0x7D0  }
0x40: {  	[sflag:s16] =	ssyncset.done $0x0  }
0x41: {  	s31 =	simm.s32 $0x180;
	[sflag:s16] =	ssyncadd.s32 $0xFFFFF830  }
0x42: {  	[tilespmem:s26], [sflag:$0x4] =	stream.indirect.gather [hbm4b:s4+s19], $0x10, s31, s19, $0xb8;
	[tilespmem:$0x7620] =	vst v63  }
0x43: {  	_ =	swait.ge [sflag:s18], $0x7D0  }
0x44: {  	[sflag:s18] =	ssyncset.done $0x0  }
0x45: {  	s31 =	simm.s32 $0x1480;
	[sflag:s18] =	ssyncadd.s32 $0xFFFFF830  }
0x46: {  	[spmem:s2] =	stream.indirect.scatter.add.f32 [tilespmem:s22], [sflag:$0x5], $0x10, s31, s19, $0xb8;
	[tilespmem:$0x7620] =	vst v63  }
0x47: {  	_ =	swait.ge [sflag:s16], $0x7D0  }
0x48: {  	[sflag:s16] =	ssyncset.done $0x0  }
0x49: {  	s31 =	simm.s32 $0x200;
	[sflag:s16] =	ssyncadd.s32 $0xFFFFF830  }
0x4a: {  	[tilespmem:s20], [sflag:$0x1] =	stream.indirect.gather [hbm4b:s4+s19], $0x10, s31, s19, $0xb8;
	[tilespmem:$0x7620] =	vst v63  }
0x4b: {  	_ =	swait.ge [sflag:s28], $0x7D0  }
0x4c: {  	[sflag:s28] =	ssyncset.done $0x0  }
0x4d: {  	s31 =	simm.s32 $0x1500;
	[sflag:s28] =	ssyncadd.s32 $0xFFFFF830  }
0x4e: {  	[spmem:s2] =	stream.indirect.scatter.add.f32 [tilespmem:s24], [sflag:$0x5], $0x10, s31, s19, $0xb8;
	[tilespmem:$0x7620] =	vst v63  }
0x4f: {  	_ =	swait.ge [sflag:s16], $0x7D0  }
0x50: {  	[sflag:s16] =	ssyncset.done $0x0  }
0x51: {  	s31 =	simm.s32 $0x280;
	[sflag:s16] =	ssyncadd.s32 $0xFFFFF830  }
0x52: {  	[tilespmem:s22], [sflag:$0x2] =	stream.indirect.gather [hbm4b:s4+s19], $0x10, s31, s19, $0xb8;
	[tilespmem:$0x7620] =	vst v63  }
0x53: {  	_ =	swait.ge [sflag:s29], $0x7D0  }
0x54: {  	[sflag:s29] =	ssyncset.done $0x0  }
0x55: {  	s31 =	simm.s32 $0x1580;
	[sflag:s29] =	ssyncadd.s32 $0xFFFFF830  }
0x56: {  	[spmem:s2] =	stream.indirect.scatter.add.f32 [tilespmem:s26], [sflag:$0x5], $0x10, s31, s19, $0xb8;
	[tilespmem:$0x7620] =	vst v63  }
0x57: {  	_ =	swait.ge [sflag:s16], $0x7D0  }
0x58: {  	[sflag:s16] =	ssyncset.done $0x0  }
0x59: {  	s30 =	simm.s32 $0x300;
	s23 =	simm.s32 $0x800;
	[sflag:s16] =	ssyncadd.s32 $0xFFFFF830  }
.LBB2_4:
0x5a: {  	[tilespmem:s24], [sflag:$0x3] =	stream.indirect.gather [hbm4b:s4+s19], $0x10, s30, s19, $0xb8;
	[tilespmem:$0x7620] =	vst v63  }
0x5b: {  	s30 =	smov.u32 s23  }
0x5c: {  	p0 =	sne.s32 s23, $0x4000;
	s23 =	sadd.s32 $0x800, s23;
	_ =	swait.ge [sflag:s17], $0x7D0  }
0x5d: {  	s30 =	sshra.s32 s30, $0x2;
	[sflag:s17] =	ssyncset.done $0x0  }
0x5e: {  	s31 =	sadd.s32 $0x1400, s30;
	[sflag:s17] =	ssyncadd.s32 $0xFFFFF830  }
0x5f: {  	[spmem:s2] =	stream.indirect.scatter.add.f32 [tilespmem:s20], [sflag:$0x5], $0x10, s31, s19, $0xb8;
	[tilespmem:$0x7620] =	vst v63  }
0x60: {  	_ =	swait.ge [sflag:s16], $0x7D0  }
0x61: {  	[sflag:s16] =	ssyncset.done $0x0  }
0x62: {  	s31 =	sadd.s32 $0x180, s30;
	[sflag:s16] =	ssyncadd.s32 $0xFFFFF830  }
0x63: {  	[tilespmem:s26], [sflag:$0x4] =	stream.indirect.gather [hbm4b:s4+s19], $0x10, s31, s19, $0xb8;
	[tilespmem:$0x7620] =	vst v63  }
0x64: {  	_ =	swait.ge [sflag:s18], $0x7D0  }
0x65: {  	[sflag:s18] =	ssyncset.done $0x0  }
0x66: {  	s31 =	sadd.s32 $0x1480, s30;
	[sflag:s18] =	ssyncadd.s32 $0xFFFFF830  }
0x67: {  	[spmem:s2] =	stream.indirect.scatter.add.f32 [tilespmem:s22], [sflag:$0x5], $0x10, s31, s19, $0xb8;
	[tilespmem:$0x7620] =	vst v63  }
0x68: {  	_ =	swait.ge [sflag:s16], $0x7D0  }
0x69: {  	[sflag:s16] =	ssyncset.done $0x0  }
0x6a: {  	s31 =	sadd.s32 $0x200, s30;
	[sflag:s16] =	ssyncadd.s32 $0xFFFFF830  }
0x6b: {  	[tilespmem:s20], [sflag:$0x1] =	stream.indirect.gather [hbm4b:s4+s19], $0x10, s31, s19, $0xb8;
	[tilespmem:$0x7620] =	vst v63  }
0x6c: {  	_ =	swait.ge [sflag:s28], $0x7D0  }
0x6d: {  	[sflag:s28] =	ssyncset.done $0x0  }
0x6e: {  	s31 =	sadd.s32 $0x1500, s30;
	[sflag:s28] =	ssyncadd.s32 $0xFFFFF830  }
0x6f: {  	[spmem:s2] =	stream.indirect.scatter.add.f32 [tilespmem:s24], [sflag:$0x5], $0x10, s31, s19, $0xb8;
	[tilespmem:$0x7620] =	vst v63  }
0x70: {  	_ =	swait.ge [sflag:s16], $0x7D0  }
0x71: {  	[sflag:s16] =	ssyncset.done $0x0  }
0x72: {  	s31 =	sadd.s32 $0x280, s30;
	[sflag:s16] =	ssyncadd.s32 $0xFFFFF830  }
0x73: {  	[tilespmem:s22], [sflag:$0x2] =	stream.indirect.gather [hbm4b:s4+s19], $0x10, s31, s19, $0xb8;
	[tilespmem:$0x7620] =	vst v63  }
0x74: {  	_ =	swait.ge [sflag:s29], $0x7D0  }
0x75: {  	[sflag:s29] =	ssyncset.done $0x0  }
.Ltmp1:
0x76: {  	s31 =	sadd.s32 $0x1580, s30;
	[sflag:s29] =	ssyncadd.s32 $0xFFFFF830;
	(pc) =	sbr.rel @p0 .LBB2_4-.Ltmp1, $4  }
0x77: {  	[spmem:s2] =	stream.indirect.scatter.add.f32 [tilespmem:s26], [sflag:$0x5], $0x10, s31, s19, $0xb8;
	[tilespmem:$0x7620] =	vst v63  }
0x78: {  	_ =	swait.ge [sflag:s16], $0x7D0  }
0x79: {  	[sflag:s16] =	ssyncset.done $0x0  }
0x7a: {  	s30 =	sadd.s32 $0x300, s30;
	[sflag:s16] =	ssyncadd.s32 $0xFFFFF830  }
0x7b: {  	[tilespmem:s24], [sflag:$0x3] =	stream.indirect.gather [hbm4b:s4+s19], $0x10, s30, s19, $0xb8;
	[tilespmem:$0x7620] =	vst v63  }
0x7c: {  	_ =	swait.ge [sflag:s17], $0x7D0  }
0x7d: {  	[sflag:s17] =	ssyncset.done $0x0  }
0x7e: {  	s23 =	simm.s32 $0x2600;
	[sflag:s17] =	ssyncadd.s32 $0xFFFFF830  }
0x7f: {  	[spmem:s2] =	stream.indirect.scatter.add.f32 [tilespmem:s20], [sflag:$0x5], $0x10, s23, s19, $0xb8;
	[tilespmem:$0x7620] =	vst v63  }
0x80: {  	_ =	swait.ge [sflag:s16], $0x7D0  }
0x81: {  	[sflag:s16] =	ssyncset.done $0x0  }
0x82: {  	s30 =	simm.s32 $0x1380;
	[sflag:s16] =	ssyncadd.s32 $0xFFFFF830  }
0x83: {  	[tilespmem:s26], [sflag:$0x4] =	stream.indirect.gather [hbm4b:s4+s19], $0x10, s30, s19, $0xb8;
	[tilespmem:$0x7620] =	vst v63  }
0x84: {  	_ =	swait.ge [sflag:s18], $0x7D0  }
0x85: {  	[sflag:s18] =	ssyncset.done $0x0  }
0x86: {  	[sflag:s18] =	ssyncadd.s32 $0xFFFFF830  }
0x87: {  	[spmem:s2] =	stream.indirect.scatter.add.f32 [tilespmem:s22], [sflag:$0x5], $0x10, s1, s19, $0xb8;
	[tilespmem:$0x7620] =	vst v63  }
0x88: {  	_ =	swait.ge [sflag:s16], $0x7D0  }
0x89: {  	[sflag:s16] =	ssyncset.done $0x0  }
0x8a: {  	[sflag:s16] =	ssyncadd.s32 $0xFFFFF830  }
0x8b: {  	_ =	swait.ge [sflag:s28], $0x7D0  }
0x8c: {  	[sflag:s28] =	ssyncset.done $0x0  }
0x8d: {  	[sflag:s28] =	ssyncadd.s32 $0xFFFFF830  }
0x8e: {  	[spmem:s2] =	stream.indirect.scatter.add.f32 [tilespmem:s24], [sflag:$0x5], $0x10, s0, s19, $0xb8;
	[tilespmem:$0x7620] =	vst v63  }
0x8f: {  	_ =	swait.ge [sflag:s16], $0x7D0  }
0x90: {  	[sflag:s16] =	ssyncset.done $0x0  }
0x91: {  	[sflag:s16] =	ssyncadd.s32 $0xFFFFF830  }
0x92: {  	_ =	swait.ge [sflag:s29], $0x7D0  }
0x93: {  	[sflag:s29] =	ssyncset.done $0x0  }
0x94: {  	[sflag:s29] =	ssyncadd.s32 $0xFFFFF830  }
0x95: {  	[spmem:s2] =	stream.indirect.scatter.add.f32 [tilespmem:s26], [sflag:$0x5], $0x10, s14, s19, $0xb8;
	[tilespmem:$0x7620] =	vst v63  }
0x96: {  	_ =	swait.ge [sflag:s16], $0x7D0  }
0x97: {  	s31 =	stileid.u32;
	s21 =	sadd.s32 $0x1, s21;
	[sflag:s16] =	ssyncset.done $0x0  }
0x98: {  	p0 =	sne.s32 s21, s9;
	s23 =	sshll.u32 s31, $0x6;
	[sflag:s16] =	ssyncadd.s32 $0xFFFFF830  }
.Ltmp2:
0x99: {  	s23 =	sor.u32 $0x1C05, s23;
	[bflag:$0x0] =	sbarrier.arrive $0xFFFF;
	(pc) =	sbr.rel @p0 .LBB2_1-.Ltmp2, $4  }
0x9a: {  	[hbm:s7], [sflag:s23] =	dma.local [spmem:s25], $0x4E2  }
0x9b: {  	_ =	swait.ge [sflag:s16], $0x4E2  }
0x9c: {  	[sflag:s16] =	ssyncset.done $0x0  }
0x9d: {  	[sflag:s16] =	ssyncadd.s32 $0xFFFFFB1E  }
0x9e: {  	_ =	sfence.sel $0x180000  }
0x9f: {  	[bflag:$0x0] =	sbarrier.arrive $0xFFFF  }
0xa0: {  	_ =	strace $0x90000047  }
0xa1: {  	s0 =	stileid.u32;
	[bflag:$0x2] =	sbarrier.arrive $0xFFFF  }
0xa2: {  	p0 =	sne.s32 s0, $0x0;
	s0 =	rddreg [dreg:$0x2]  }
0xa3: {  	s0 =	sadd.s32 @!p0 $0x100000, s0  }
0xa4: {  	[sflag:s0] =	ssyncadd.tile.s32 @!p0 $0x1;
	_ =	shalt  }
.Lfunc_end2:
_tile_overlayer_lowered:
.L_overlay_start_2:
0xa5: {  	(tag) =	ssettag $0x2  }
0xa6: {  	s0 =	rddreg [dreg:$0x0];
	s2 =	stileid.u32  }
0xa7: {  	s1 =	rddreg [dreg:$0x1];
	p0 =	sne.s32 s2, $0x0  }
0xa8: {  	s3 =	rddreg [dreg:$0x2];
	[bflag:$0x3] =	sbarrier.arrive $0xFFFF;
	s2 =	simm.s32 @!p0 $0x1C05  }
0xa9: {  	[timem:s3], [sflag:s2] =	dma.local @!p0 [hbm:s0], s1  }
0xaa: {  	s0 =	simm.s32 @!p0 $0x5  }
0xab: {  	_ =	swait.ge @!p0 [sflag:s0], s1  }
0xac: {  	s1 =	ssub.s32 @!p0 $0x0, s1;
	[sflag:s0] =	ssyncset.done @!p0 $0x0  }
0xad: {  	[sflag:s0] =	ssyncadd.s32 @!p0 s1  }
0xae: {  	[bflag:$0x3] =	sbarrier.arrive $0xFFFF  }
0xaf: {  	_ =	shalt  }

</sc_bundles>
